<compile_context>
chip_gen: v7x
topology: tpu7x:2x2x1
jax: 0.10.2.dev20260603
libtpu: 0.0.44.dev20260713+nightly
codegen_flags: <defaults>
</compile_context>

<pallas_src>
import functools
import math

import jax
import jax.numpy as jnp
from jax import lax
from jax.experimental import pallas as pl
from jax.experimental.pallas import tpu as pltpu
from jax.experimental.pallas import tpu_sc as plsc

_BF = jnp.bfloat16
_F32 = jnp.float32


def _sc_gather(x, idx_pad):
    b, h = idx_pad.shape[0], x.shape[1]
    info = plsc.get_sparse_core_info()
    nw = info.num_cores * info.num_subcores
    b_per_w = b // nw
    mesh = plsc.VectorSubcoreMesh(core_axis_name="c", subcore_axis_name="s")

    @functools.partial(
        pl.kernel,
        mesh=mesh,
        out_type=jax.ShapeDtypeStruct((b, h), _F32),
        scratch_types=[
            pltpu.VMEM((b_per_w,), jnp.int32),
            pltpu.VMEM((b_per_w, h), _F32),
            pltpu.SemaphoreType.DMA,
        ],
    )
    def gather_kernel(x_hbm, idx_hbm, out_hbm, idx_v, rows_v, sem):
        wid = lax.axis_index("s") * info.num_cores + lax.axis_index("c")
        base = wid * b_per_w
        pltpu.sync_copy(idx_hbm.at[pl.ds(base, b_per_w)], idx_v)
        pltpu.async_copy(x_hbm.at[idx_v], rows_v, sem).wait()
        pltpu.sync_copy(rows_v, out_hbm.at[pl.ds(base, b_per_w)])

    return gather_kernel(x, idx_pad)


def _mlp3(z, w_refs, b_refs):
    for w_ref, b_ref in zip(w_refs, b_refs):
        w = w_ref[...].astype(_BF)
        z = jnp.dot(z, w, preferred_element_type=_F32) + b_ref[...]
        z = jnp.maximum(z, 0.0).astype(_BF)
    return z


def _fused(x, x_obs, wo, bo, w_bil, wq, bq, wv, bv, b_bil, w_g, b_g,
           ko, k_pool, blk):
    n, h = x.shape
    nblk = (n + blk - 1) // blk
    npad = nblk * blk
    nc = b_g.shape[1]
    kop = x_obs.shape[0]
    sub = blk // 128

    def body(x_ref, xo_ref, wo0, wo1, wo2, bo0, bo1, bo2, wbil_ref,
             wq0, wq1, wq2, bq0, bq1, bq2,
             wv0, wv1, wv2, bv0, bv1, bv2, bbil_ref,
             wg_ref, bg_ref, dec_ref, pooled_ref, log_ref,
             gw_scr, v_scr, sc_scr, sm_scr):
        i = pl.program_id(0)

        @pl.when(i == 0)
        def _obs():
            xo = xo_ref[...].astype(_BF)
            hh = _mlp3(xo, (wo0, wo1, wo2), (bo0, bo1, bo2)).astype(_F32)
            rowmask = lax.broadcasted_iota(jnp.int32, (kop, 1), 0) < ko
            g = jnp.sum(jnp.where(rowmask, hh, 0.0), axis=0,
                        keepdims=True) / ko
            gb = g.astype(_BF)
            gw0 = jnp.dot(gb, wbil_ref[0].astype(_BF),
                          preferred_element_type=_F32)
            gw1 = jnp.dot(gb, wbil_ref[1].astype(_BF),
                          preferred_element_type=_F32)
            gw_scr[...] = jnp.concatenate([gw0, gw1], axis=0)

        @pl.when((i >= 1) & (i <= nblk))
        def _dense():
            j = i - 1
            xb = x_ref[...].astype(_BF)
            q = _mlp3(xb, (wq0, wq1, wq2), (bq0, bq1, bq2))
            v = _mlp3(xb, (wv0, wv1, wv2), (bv0, bv1, bv2))
            dec = lax.dot_general(
                q, gw_scr[...].astype(_BF), (((1,), (1,)), ((), ())),
                preferred_element_type=_F32) + bbil_ref[...]
            dec_ref[...] = dec
            row = j * blk + lax.broadcasted_iota(jnp.int32, (blk, 1), 0)
            score = jnp.where(row < n, dec[:, 0:1], -jnp.inf)
            sc_scr[pl.ds(j * blk, blk), :] = score
            sm_scr[pl.ds(j * sub, sub), :] = score.reshape(sub, 128)
            v_scr[pl.ds(j * blk, blk), :] = jnp.where(
                row < n, v, jnp.bfloat16(0.0))

        @pl.when(i == nblk + 1)
        def _select():
            big = jnp.uint32(0x80000000)
            sm = sm_scr[...]
            u = lax.bitcast_convert_type(sm, jnp.uint32)
            key = jnp.where(u >= big, ~u, u | big)

            def tstep(j, prefix):
                cand = prefix | lax.shift_right_logical(
                    big, j.astype(jnp.uint32))
                cnt = jnp.sum((key >= cand).astype(jnp.int32))
                return lax.select(cnt >= k_pool, cand, prefix)

            tkey = lax.fori_loop(0, 32, tstep, jnp.uint32(0))

            n_gt = jnp.sum((key > tkey).astype(jnp.int32))
            r = k_pool - n_gt
            rows, cols = sm.shape
            idxm = (lax.broadcasted_iota(jnp.int32, (rows, cols), 0) * cols
                    + lax.broadcasted_iota(jnp.int32, (rows, cols), 1))
            tie = key == tkey

            def istep(j, p2):
                cand = p2 | lax.shift_right_logical(jnp.int32(1 << 14), j)
                cnt = jnp.sum((tie & (idxm < cand)).astype(jnp.int32))
                return lax.select(cnt < r, cand, p2)

            limit = lax.fori_loop(0, 15, istep, jnp.int32(0)) + 1

            m = jnp.max(sm)
            sc = sc_scr[...]
            uc = lax.bitcast_convert_type(sc, jnp.uint32)
            keyc = jnp.where(uc >= big, ~uc, uc | big)
            idxc = lax.broadcasted_iota(jnp.int32, sc.shape, 0)
            sel = (keyc > tkey) | ((keyc == tkey) & (idxc < limit))
            e = jnp.where(sel, jnp.exp(sc - m), 0.0).astype(_BF)
            z = jnp.sum(e.astype(_F32))
            pooled = lax.dot_general(
                e, v_scr[...], (((0,), (0,)), ((), ())),
                preferred_element_type=_F32) / z
            pooled_ref[...] = pooled
            log_ref[...] = jnp.dot(
                pooled.astype(_BF), wg_ref[...].astype(_BF),
                preferred_element_type=_F32) + bg_ref[...]

    const = lambda i: (0, 0)
    wspec = pl.BlockSpec((h, h), const)
    bspec = pl.BlockSpec((1, h), const)
    blkmap = lambda i: (jnp.clip(i - 1, 0, nblk - 1), 0)
    return pl.pallas_call(
        body,
        grid=(nblk + 2,),
        in_specs=[
            pl.BlockSpec((blk, h), blkmap),
            pl.BlockSpec((kop, h), const),
            wspec, wspec, wspec, bspec, bspec, bspec,
            pl.BlockSpec((2, h, h), lambda i: (0, 0, 0)),
            wspec, wspec, wspec, bspec, bspec, bspec,
            wspec, wspec, wspec, bspec, bspec, bspec,
            pl.BlockSpec((1, 2), const),
            pl.BlockSpec((h, nc), const),
            pl.BlockSpec((1, nc), const),
        ],
        out_specs=[
            pl.BlockSpec((blk, 2), blkmap),
            pl.BlockSpec((1, h), const),
            pl.BlockSpec((1, nc), const),
        ],
        out_shape=[
            jax.ShapeDtypeStruct((n, 2), _F32),
            jax.ShapeDtypeStruct((1, h), _F32),
            jax.ShapeDtypeStruct((1, nc), _F32),
        ],
        scratch_shapes=[
            pltpu.VMEM((2, h), _F32),
            pltpu.VMEM((npad, h), _BF),
            pltpu.VMEM((npad, 1), _F32),
            pltpu.VMEM((npad // 128, 128), _F32),
        ],
    )(x, x_obs, wo[0], wo[1], wo[2], bo[0], bo[1], bo[2], w_bil,
      wq[0], wq[1], wq[2], bq[0], bq[1], bq[2],
      wv[0], wv[1], wv[2], bv[0], bv[1], bv[2], b_bil, w_g, b_g)


def kernel(x, obs_x_index, edge_index_01, edge_index_2,
           W_obs0, b_obs0, W_obs1, b_obs1, W_obs2, b_obs2,
           W_q0, b_q0, W_q1, b_q1, W_q2, b_q2,
           W_v0, b_v0, W_v1, b_v1, W_v2, b_v2,
           W_bil, b_bil, W_g, b_g):
    n, h = x.shape
    ko = obs_x_index.shape[0]
    kop = ((ko + 255) // 256) * 256
    k_pool = int(math.ceil(0.5 * n))
    blk = 2048

    idx_pad = jnp.concatenate(
        [obs_x_index.astype(jnp.int32),
         jnp.zeros((kop - ko,), jnp.int32)])
    x_obs = _sc_gather(x, idx_pad)
    decoded, pooled, logits = _fused(
        x, x_obs,
        (W_obs0, W_obs1, W_obs2),
        (b_obs0.reshape(1, h), b_obs1.reshape(1, h), b_obs2.reshape(1, h)),
        W_bil,
        (W_q0, W_q1, W_q2),
        (b_q0.reshape(1, h), b_q1.reshape(1, h), b_q2.reshape(1, h)),
        (W_v0, W_v1, W_v2),
        (b_v0.reshape(1, h), b_v1.reshape(1, h), b_v2.reshape(1, h)),
        b_bil.reshape(1, 2), W_g, b_g.reshape(1, -1), ko, k_pool, blk)
    return pooled, logits, decoded

# --- scband reference (transcript-rebuilt; emitter-appended) ---
"""Pipeline reference for scband-sgidecoder-2224793059906 (READ-ONLY COPY).

The authoritative reference and input builder live on the scoring server;
editing this copy changes nothing except your own understanding.
"""

import math
import jax, jax.numpy as jnp
import numpy as np

H = 512
N = 10000
K_OBS = 1000
NUM_CLASSES = 10
POOL_RATIO = 0.5
N_EDGE = 160000

def _mlp(x, Ws, bs, activate_last):
    n = len(Ws)
    for i in range(n):
        x = x @ Ws[i] + bs[i]
        if i < n - 1 or activate_last:
            x = jax.nn.relu(x)
    return x

def _forward(x, obs_x_index,
             W_obs0, b_obs0, W_obs1, b_obs1, W_obs2, b_obs2,
             W_q0, b_q0, W_q1, b_q1, W_q2, b_q2,
             W_v0, b_v0, W_v1, b_v1, W_v2, b_v2,
             W_bil, b_bil, W_g, b_g):
    # ObservedSubgraphPooler (batch=None -> single graph, B=1)
    x_obs = jnp.take(x, obs_x_index, axis=0)  # [K_OBS, H] gather
    h = _mlp(x_obs, [W_obs0, W_obs1, W_obs2], [b_obs0, b_obs1, b_obs2], False)
    h = jax.nn.relu(h)  # act(x, 'relu') after obs_enc
    obs_g_k = jnp.mean(h, axis=0)  # GlobalMeanPool over the single graph -> [H]
    # body MLPs (activate_last=True)
    x_q = _mlp(x, [W_q0, W_q1, W_q2], [b_q0, b_q1, b_q2], True)
    x_v = _mlp(x, [W_v0, W_v1, W_v2], [b_v0, b_v1, b_v2], True)
    # BilinearWith1d node decoder: decoded[n,o] = sum_ij g[i] W[o,i,j] q[n,j] + b[o]
    gW = jnp.einsum('i,oij->oj', obs_g_k, W_bil)  # [2, H]
    decoded = x_q @ gW.T + b_bil  # [N, 2]
    # top-k pooling (PyG topk with ratio, single graph)
    score = decoded[:, 0]
    k = int(math.ceil(POOL_RATIO * N))
    top_vals, perm = jax.lax.top_k(score, k)
    w = jax.nn.softmax(top_vals)[:, None]  # softmax_half over selected scores (fp32 here)
    pooled = jnp.sum(w * jnp.take(x_v, perm, axis=0), axis=0, keepdims=True)  # scatter_add to B=1 -> [1, H]
    logits_g = (pooled @ W_g + b_g).reshape(1, NUM_CLASSES)
    return pooled, logits_g, decoded

def setup_inputs(seed: int = 0):
    key = jax.random.key(seed)
    ks = jax.random.split(key, 32)
    inp = {}
    inp['x'] = jax.random.normal(ks[0], (N, H), dtype=jnp.float32)
    inp['obs_x_index'] = jax.random.randint(ks[1], (K_OBS,), 0, N)
    inp['edge_index_01'] = jax.random.randint(ks[2], (2, N_EDGE), 0, N)
    inp['edge_index_2'] = jax.random.randint(ks[3], (2, 16000), 0, N)
    def lin(k, din, dout):
        return jax.random.normal(k, (din, dout), dtype=jnp.float32) / np.sqrt(din).astype(np.float32)
    i = 4
    for name in ['obs', 'q', 'v']:
        for l in range(3):
            inp['W_%s%d' % (name, l)] = lin(ks[i], H, H)
            i += 1
            inp['b_%s%d' % (name, l)] = jnp.zeros((H,), jnp.float32)
    inp['W_bil'] = jax.random.normal(ks[i], (2, H, H), dtype=jnp.float32) / np.float32(H)
    i += 1
    inp['b_bil'] = jnp.zeros((2,), jnp.float32)
    inp['W_g'] = lin(ks[i], H, NUM_CLASSES)
    i += 1
    inp['b_g'] = jnp.zeros((NUM_CLASSES,), jnp.float32)
    return inp

def reference(x, obs_x_index, edge_index_01, edge_index_2,
              W_obs0, b_obs0, W_obs1, b_obs1, W_obs2, b_obs2,
              W_q0, b_q0, W_q1, b_q1, W_q2, b_q2,
              W_v0, b_v0, W_v1, b_v1, W_v2, b_v2,
              W_bil, b_bil, W_g, b_g):
    # edge_index_01 / edge_index_2 are unused in the node-decoder configuration
    return _forward(x, obs_x_index,
                    W_obs0, b_obs0, W_obs1, b_obs1, W_obs2, b_obs2,
                    W_q0, b_q0, W_q1, b_q1, W_q2, b_q2,
                    W_v0, b_v0, W_v1, b_v1, W_v2, b_v2,
                    W_bil, b_bil, W_g, b_g)

if __name__ == "__main__":
    import jax
    _d = setup_inputs()
    print(jax.jit(kernel)(*tuple(_d.values())))

</pallas_src>

<mosaic_0001>
#map = affine_map<(d0, d1) -> (0, 0)>
#map1 = affine_map<(d0, d1) -> (0)>
module attributes {stable_mosaic.version = 14 : i64} {
  func.func @gather_kernel(%arg0: i32, %arg1: i32, %arg2: memref<10000x512xf32, #tpu.memory_space<hbm>>, %arg3: memref<1024xi32, #tpu.memory_space<hbm>>, %arg4: memref<1024x512xf32, #tpu.memory_space<hbm>>, %arg5: memref<32xi32, #tpu.memory_space<vmem>>, %arg6: memref<32x512xf32, #tpu.memory_space<vmem>>, %arg7: memref<!tpu.dma_semaphore, #tpu.memory_space<semaphore_mem>>) attributes {dimension_semantics = [#tpu.dimension_semantics<core_parallel>, #tpu.dimension_semantics<subcore_parallel>], iteration_bounds = array<i64: 2, 16>, scalar_prefetch = 0 : i64, scratch_operands = 3 : i64, tpu.core_type = #tpu.core_type<sc_vector_subcore>, window_params = [{transform_indices = #map}, {transform_indices = #map1}, {transform_indices = #map}]} {
    %mul3A = arith.constant 2 : i32
    %mul3A_0 = arith.muli %arg1, %mul3A : i32
    %add3A = arith.addi %mul3A_0, %arg0 : i32
    %mul3A_1 = arith.constant 32 : i32
    %mul3A_2 = arith.muli %add3A, %mul3A_1 : i32
    "tpu.region"() ({
      %run_scoped3A = tpu.sem_alloc : memref<!tpu.dma_semaphore, #tpu.memory_space<semaphore_mem>>
      %dma_start3A_7 = tpu.memref_slice %arg3[%mul3A_2] : memref<1024xi32, #tpu.memory_space<hbm>> -> memref<32xi32, #tpu.memory_space<hbm>>
      %dma_start3A_8 = tpu.memref_slice %arg3[%mul3A_2] : memref<1024xi32, #tpu.memory_space<hbm>> -> memref<32xi32, #tpu.memory_space<hbm>>
      tpu.enqueue_dma source(%dma_start3A_8 : memref<32xi32, #tpu.memory_space<hbm>>) target(%arg5 : memref<32xi32, #tpu.memory_space<vmem>>) target_semaphore(%run_scoped3A : memref<!tpu.dma_semaphore, #tpu.memory_space<semaphore_mem>>)
      %dma_wait3A_9 = tpu.memref_slice %arg3[%mul3A_2] : memref<1024xi32, #tpu.memory_space<hbm>> -> memref<32xi32, #tpu.memory_space<hbm>>
      %dma_wait3A_10 = tpu.memref_slice %arg3[%mul3A_2] : memref<1024xi32, #tpu.memory_space<hbm>> -> memref<32xi32, #tpu.memory_space<hbm>>
      tpu.wait_dma2 semaphore(%run_scoped3A : memref<!tpu.dma_semaphore, #tpu.memory_space<semaphore_mem>>) src(%dma_wait3A_10 : memref<32xi32, #tpu.memory_space<hbm>>) dst(%arg5 : memref<32xi32, #tpu.memory_space<vmem>>)
      tpu.yield
    }) : () -> ()
    %dma_start3A = arith.constant 0 : i32
    %dma_start3A_3 = arith.constant 0 : i32
    %dma_start3A_4 = tpu.memref_slice %arg2[%dma_start3A, %dma_start3A_3] : memref<10000x512xf32, #tpu.memory_space<hbm>> -> memref<10000x512xf32, #tpu.memory_space<hbm>>
    tpu.enqueue_indirect_dma source(%dma_start3A_4 : memref<10000x512xf32, #tpu.memory_space<hbm>>) target(%arg6 : memref<32x512xf32, #tpu.memory_space<vmem>>) offsets(%arg5 : memref<32xi32, #tpu.memory_space<vmem>>) semaphore(%arg7 : memref<!tpu.dma_semaphore, #tpu.memory_space<semaphore_mem>>)
    %dma_wait3A = arith.constant 0 : i32
    %dma_wait3A_5 = arith.constant 0 : i32
    %dma_wait3A_6 = tpu.memref_slice %arg2[%dma_wait3A, %dma_wait3A_5] : memref<10000x512xf32, #tpu.memory_space<hbm>> -> memref<10000x512xf32, #tpu.memory_space<hbm>>
    tpu.wait_indirect_dma semaphore(%arg7 : memref<!tpu.dma_semaphore, #tpu.memory_space<semaphore_mem>>) src(%dma_wait3A_6 : memref<10000x512xf32, #tpu.memory_space<hbm>>) dst(%arg6 : memref<32x512xf32, #tpu.memory_space<vmem>>)
    "tpu.region"() ({
      %run_scoped3A = tpu.sem_alloc : memref<!tpu.dma_semaphore, #tpu.memory_space<semaphore_mem>>
      %dma_start3A_7 = arith.constant 0 : i32
      %dma_start3A_8 = tpu.memref_slice %arg4[%mul3A_2, %dma_start3A_7] : memref<1024x512xf32, #tpu.memory_space<hbm>> -> memref<32x512xf32, #tpu.memory_space<hbm>>
      %dma_start3A_9 = arith.constant 0 : i32
      %dma_start3A_10 = tpu.memref_slice %arg4[%mul3A_2, %dma_start3A_9] : memref<1024x512xf32, #tpu.memory_space<hbm>> -> memref<32x512xf32, #tpu.memory_space<hbm>>
      tpu.enqueue_dma source(%arg6 : memref<32x512xf32, #tpu.memory_space<vmem>>) target(%dma_start3A_10 : memref<32x512xf32, #tpu.memory_space<hbm>>) target_semaphore(%run_scoped3A : memref<!tpu.dma_semaphore, #tpu.memory_space<semaphore_mem>>)
      %dma_wait3A_11 = arith.constant 0 : i32
      %dma_wait3A_12 = tpu.memref_slice %arg4[%mul3A_2, %dma_wait3A_11] : memref<1024x512xf32, #tpu.memory_space<hbm>> -> memref<32x512xf32, #tpu.memory_space<hbm>>
      %dma_wait3A_13 = arith.constant 0 : i32
      %dma_wait3A_14 = tpu.memref_slice %arg4[%mul3A_2, %dma_wait3A_13] : memref<1024x512xf32, #tpu.memory_space<hbm>> -> memref<32x512xf32, #tpu.memory_space<hbm>>
      tpu.wait_dma2 semaphore(%run_scoped3A : memref<!tpu.dma_semaphore, #tpu.memory_space<semaphore_mem>>) src(%arg6 : memref<32x512xf32, #tpu.memory_space<vmem>>) dst(%dma_wait3A_14 : memref<32x512xf32, #tpu.memory_space<hbm>>)
      tpu.yield
    }) : () -> ()
    return
  }
}

module attributes {stable_mosaic.version = 14 : i64} {
  func.func @body(%arg0: i32, %arg1: memref<2048x512xf32, #tpu.memory_space<vmem>>, %arg2: memref<1024x512xf32, #tpu.memory_space<vmem>>, %arg3: memref<512x512xf32, #tpu.memory_space<vmem>>, %arg4: memref<512x512xf32, #tpu.memory_space<vmem>>, %arg5: memref<512x512xf32, #tpu.memory_space<vmem>>, %arg6: memref<1x512xf32, #tpu.memory_space<vmem>>, %arg7: memref<1x512xf32, #tpu.memory_space<vmem>>, %arg8: memref<1x512xf32, #tpu.memory_space<vmem>>, %arg9: memref<2x512x512xf32, #tpu.memory_space<vmem>>, %arg10: memref<512x512xf32, #tpu.memory_space<vmem>>, %arg11: memref<512x512xf32, #tpu.memory_space<vmem>>, %arg12: memref<512x512xf32, #tpu.memory_space<vmem>>, %arg13: memref<1x512xf32, #tpu.memory_space<vmem>>, %arg14: memref<1x512xf32, #tpu.memory_space<vmem>>, %arg15: memref<1x512xf32, #tpu.memory_space<vmem>>, %arg16: memref<512x512xf32, #tpu.memory_space<vmem>>, %arg17: memref<512x512xf32, #tpu.memory_space<vmem>>, %arg18: memref<512x512xf32, #tpu.memory_space<vmem>>, %arg19: memref<1x512xf32, #tpu.memory_space<vmem>>, %arg20: memref<1x512xf32, #tpu.memory_space<vmem>>, %arg21: memref<1x512xf32, #tpu.memory_space<vmem>>, %arg22: memref<1x2xf32, #tpu.memory_space<vmem>>, %arg23: memref<512x10xf32, #tpu.memory_space<vmem>>, %arg24: memref<1x10xf32, #tpu.memory_space<vmem>>, %arg25: memref<2048x2xf32, #tpu.memory_space<vmem>>, %arg26: memref<1x512xf32, #tpu.memory_space<vmem>>, %arg27: memref<1x10xf32, #tpu.memory_space<vmem>>, %arg28: memref<2x512xf32, #tpu.memory_space<vmem>>, %arg29: memref<10240x512xbf16, #tpu.memory_space<vmem>>, %arg30: memref<10240x1xf32, #tpu.memory_space<vmem>>, %arg31: memref<80x128xf32, #tpu.memory_space<vmem>>) attributes {dimension_semantics = [#tpu.dimension_semantics<arbitrary>], iteration_bounds = array<i64: 7>, scalar_prefetch = 0 : i64, scratch_operands = 4 : i64, tpu.core_type = #tpu.core_type<tc>, window_params = [{transform_indices = @transform_0, window_bounds = array<i64: 2048, 512>}, {pipeline_mode = #tpu.pipeline_mode<synchronous>, transform_indices = @transform_1, window_bounds = array<i64: 1024, 512>}, {pipeline_mode = #tpu.pipeline_mode<synchronous>, transform_indices = @transform_2, window_bounds = array<i64: 512, 512>}, {pipeline_mode = #tpu.pipeline_mode<synchronous>, transform_indices = @transform_3, window_bounds = array<i64: 512, 512>}, {pipeline_mode = #tpu.pipeline_mode<synchronous>, transform_indices = @transform_4, window_bounds = array<i64: 512, 512>}, {pipeline_mode = #tpu.pipeline_mode<synchronous>, transform_indices = @transform_5, window_bounds = array<i64: 1, 512>}, {pipeline_mode = #tpu.pipeline_mode<synchronous>, transform_indices = @transform_6, window_bounds = array<i64: 1, 512>}, {pipeline_mode = #tpu.pipeline_mode<synchronous>, transform_indices = @transform_7, window_bounds = array<i64: 1, 512>}, {pipeline_mode = #tpu.pipeline_mode<synchronous>, transform_indices = @transform_8, window_bounds = array<i64: 2, 512, 512>}, {pipeline_mode = #tpu.pipeline_mode<synchronous>, transform_indices = @transform_9, window_bounds = array<i64: 512, 512>}, {pipeline_mode = #tpu.pipeline_mode<synchronous>, transform_indices = @transform_10, window_bounds = array<i64: 512, 512>}, {pipeline_mode = #tpu.pipeline_mode<synchronous>, transform_indices = @transform_11, window_bounds = array<i64: 512, 512>}, {pipeline_mode = #tpu.pipeline_mode<synchronous>, transform_indices = @transform_12, window_bounds = array<i64: 1, 512>}, {pipeline_mode = #tpu.pipeline_mode<synchronous>, transform_indices = @transform_13, window_bounds = array<i64: 1, 512>}, {pipeline_mode = #tpu.pipeline_mode<synchronous>, transform_indices = @transform_14, window_bounds = array<i64: 1, 512>}, {pipeline_mode = #tpu.pipeline_mode<synchronous>, transform_indices = @transform_15, window_bounds = array<i64: 512, 512>}, {pipeline_mode = #tpu.pipeline_mode<synchronous>, transform_indices = @transform_16, window_bounds = array<i64: 512, 512>}, {pipeline_mode = #tpu.pipeline_mode<synchronous>, transform_indices = @transform_17, window_bounds = array<i64: 512, 512>}, {pipeline_mode = #tpu.pipeline_mode<synchronous>, transform_indices = @transform_18, window_bounds = array<i64: 1, 512>}, {pipeline_mode = #tpu.pipeline_mode<synchronous>, transform_indices = @transform_19, window_bounds = array<i64: 1, 512>}, {pipeline_mode = #tpu.pipeline_mode<synchronous>, transform_indices = @transform_20, window_bounds = array<i64: 1, 512>}, {pipeline_mode = #tpu.pipeline_mode<synchronous>, transform_indices = @transform_21, window_bounds = array<i64: 1, 2>}, {pipeline_mode = #tpu.pipeline_mode<synchronous>, transform_indices = @transform_22, window_bounds = array<i64: 512, 10>}, {pipeline_mode = #tpu.pipeline_mode<synchronous>, transform_indices = @transform_23, window_bounds = array<i64: 1, 10>}, {transform_indices = @transform_24, window_bounds = array<i64: 2048, 2>}, {pipeline_mode = #tpu.pipeline_mode<synchronous>, transform_indices = @transform_25, window_bounds = array<i64: 1, 512>}, {pipeline_mode = #tpu.pipeline_mode<synchronous>, transform_indices = @transform_26, window_bounds = array<i64: 1, 10>}]} {
    %eq3A = arith.constant 0 : i32
    %eq3A_0 = arith.cmpi eq, %arg0, %eq3A : i32
    %convert_element_type3A = arith.extui %eq3A_0 : i1 to i32
    %cond3A = arith.constant 0 : i32
    %cond3A_1 = arith.cmpi ne, %convert_element_type3A, %cond3A : i32
    scf.if %cond3A_1 {
      %get3A = arith.constant 0 : index
      %get3A_12 = arith.constant 0 : index
      %get3A_13 = vector.load %arg2[%get3A, %get3A_12] : memref<1024x512xf32, #tpu.memory_space<vmem>>, vector<1024x512xf32>
      %convert_element_type3A_14 = arith.truncf %get3A_13 : vector<1024x512xf32> to vector<1024x512xbf16>
      %get3A_15 = arith.constant 0 : index
      %get3A_16 = arith.constant 0 : index
      %get3A_17 = vector.load %arg3[%get3A_15, %get3A_16] : memref<512x512xf32, #tpu.memory_space<vmem>>, vector<512x512xf32>
      %convert_element_type3A_18 = arith.truncf %get3A_17 : vector<512x512xf32> to vector<512x512xbf16>
      %dot_general3A = arith.constant dense<0.000000e+00> : vector<1024x512xf32>
      %dot_general3A_19 = tpu.matmul %convert_element_type3A_14, %convert_element_type3A_18, %dot_general3A {dimension_numbers = #tpu.dot_dimension_numbers<[1], [0], [0], [1], [0, 0, 1, 1], [], []>, transpose_lhs_hint = false} : vector<1024x512xbf16>, vector<512x512xbf16>, vector<1024x512xf32> -> vector<1024x512xf32>
      %get3A_20 = arith.constant 0 : index
      %get3A_21 = arith.constant 0 : index
      %get3A_22 = vector.load %arg6[%get3A_20, %get3A_21] : memref<1x512xf32, #tpu.memory_space<vmem>>, vector<1x512xf32>
      %add3A = vector.broadcast %get3A_22 : vector<1x512xf32> to vector<1024x512xf32>
      %add3A_23 = arith.addf %dot_general3A_19, %add3A : vector<1024x512xf32>
      %max3A = arith.constant 0.000000e+00 : f32
      %max3A_24 = vector.broadcast %max3A : f32 to vector<1024x512xf32>
      %max3A_25 = arith.maximumf %add3A_23, %max3A_24 : vector<1024x512xf32>
      %convert_element_type3A_26 = arith.truncf %max3A_25 : vector<1024x512xf32> to vector<1024x512xbf16>
      %get3A_27 = arith.constant 0 : index
      %get3A_28 = arith.constant 0 : index
      %get3A_29 = vector.load %arg4[%get3A_27, %get3A_28] : memref<512x512xf32, #tpu.memory_space<vmem>>, vector<512x512xf32>
      %convert_element_type3A_30 = arith.truncf %get3A_29 : vector<512x512xf32> to vector<512x512xbf16>
      %dot_general3A_31 = arith.constant dense<0.000000e+00> : vector<1024x512xf32>
      %dot_general3A_32 = tpu.matmul %convert_element_type3A_26, %convert_element_type3A_30, %dot_general3A_31 {dimension_numbers = #tpu.dot_dimension_numbers<[1], [0], [0], [1], [0, 0, 1, 1], [], []>, transpose_lhs_hint = false} : vector<1024x512xbf16>, vector<512x512xbf16>, vector<1024x512xf32> -> vector<1024x512xf32>
      %get3A_33 = arith.constant 0 : index
      %get3A_34 = arith.constant 0 : index
      %get3A_35 = vector.load %arg7[%get3A_33, %get3A_34] : memref<1x512xf32, #tpu.memory_space<vmem>>, vector<1x512xf32>
      %add3A_36 = vector.broadcast %get3A_35 : vector<1x512xf32> to vector<1024x512xf32>
      %add3A_37 = arith.addf %dot_general3A_32, %add3A_36 : vector<1024x512xf32>
      %max3A_38 = arith.constant 0.000000e+00 : f32
      %max3A_39 = vector.broadcast %max3A_38 : f32 to vector<1024x512xf32>
      %max3A_40 = arith.maximumf %add3A_37, %max3A_39 : vector<1024x512xf32>
      %convert_element_type3A_41 = arith.truncf %max3A_40 : vector<1024x512xf32> to vector<1024x512xbf16>
      %get3A_42 = arith.constant 0 : index
      %get3A_43 = arith.constant 0 : index
      %get3A_44 = vector.load %arg5[%get3A_42, %get3A_43] : memref<512x512xf32, #tpu.memory_space<vmem>>, vector<512x512xf32>
      %convert_element_type3A_45 = arith.truncf %get3A_44 : vector<512x512xf32> to vector<512x512xbf16>
      %dot_general3A_46 = arith.constant dense<0.000000e+00> : vector<1024x512xf32>
      %dot_general3A_47 = tpu.matmul %convert_element_type3A_41, %convert_element_type3A_45, %dot_general3A_46 {dimension_numbers = #tpu.dot_dimension_numbers<[1], [0], [0], [1], [0, 0, 1, 1], [], []>, transpose_lhs_hint = false} : vector<1024x512xbf16>, vector<512x512xbf16>, vector<1024x512xf32> -> vector<1024x512xf32>
      %get3A_48 = arith.constant 0 : index
      %get3A_49 = arith.constant 0 : index
      %get3A_50 = vector.load %arg8[%get3A_48, %get3A_49] : memref<1x512xf32, #tpu.memory_space<vmem>>, vector<1x512xf32>
      %add3A_51 = vector.broadcast %get3A_50 : vector<1x512xf32> to vector<1024x512xf32>
      %add3A_52 = arith.addf %dot_general3A_47, %add3A_51 : vector<1024x512xf32>
      %max3A_53 = arith.constant 0.000000e+00 : f32
      %max3A_54 = vector.broadcast %max3A_53 : f32 to vector<1024x512xf32>
      %max3A_55 = arith.maximumf %add3A_52, %max3A_54 : vector<1024x512xf32>
      %convert_element_type3A_56 = arith.truncf %max3A_55 : vector<1024x512xf32> to vector<1024x512xbf16>
      %convert_element_type3A_57 = arith.extf %convert_element_type3A_56 : vector<1024x512xbf16> to vector<1024x512xf32>
      %iota3A = tpu.iota {dimensions = array<i32: 0>} : vector<1024x1xi32>
      %lt3A = arith.constant 1000 : i32
      %lt3A_58 = vector.broadcast %lt3A : i32 to vector<1024x1xi32>
      %lt3A_59 = arith.cmpi slt, %iota3A, %lt3A_58 : vector<1024x1xi32>
      %jit3A = arith.constant 0.000000e+00 : f32
      %broadcast_in_dim3A = vector.shape_cast %lt3A_59 : vector<1024x1xi1> to vector<1024x1xi1>
      %broadcast_in_dim3A_60 = vector.broadcast %broadcast_in_dim3A : vector<1024x1xi1> to vector<1024x512xi1>
      %broadcast_in_dim3A_61 = vector.broadcast %jit3A : f32 to vector<1024x512xf32>
      %select_n3A = arith.select %broadcast_in_dim3A_60, %convert_element_type3A_57, %broadcast_in_dim3A_61 : vector<1024x512xi1>, vector<1024x512xf32>
      %reduce_sum3A = arith.constant dense<0.000000e+00> : vector<512xf32>
      %reduce_sum3A_62 = vector.multi_reduction <add>, %select_n3A, %reduce_sum3A [0] : vector<1024x512xf32> to vector<512xf32>
      %broadcast_in_dim3A_63 = vector.shape_cast %reduce_sum3A_62 : vector<512xf32> to vector<1x512xf32>
      %div3A = arith.constant 1.000000e+03 : f32
      %div3A_64 = vector.broadcast %div3A : f32 to vector<1x512xf32>
      %div3A_65 = arith.divf %broadcast_in_dim3A_63, %div3A_64 : vector<1x512xf32>
      %convert_element_type3A_66 = arith.truncf %div3A_65 : vector<1x512xf32> to vector<1x512xbf16>
      %get3A_67 = arith.constant 0 : index
      %get3A_68 = arith.constant 0 : index
      %get3A_69 = arith.constant 0 : index
      %get3A_70 = vector.load %arg9[%get3A_67, %get3A_68, %get3A_69] : memref<2x512x512xf32, #tpu.memory_space<vmem>>, vector<1x512x512xf32>
      %get3A_71 = vector.shape_cast %get3A_70 : vector<1x512x512xf32> to vector<512x512xf32>
      %convert_element_type3A_72 = arith.truncf %get3A_71 : vector<512x512xf32> to vector<512x512xbf16>
      %dot_general3A_73 = arith.constant dense<0.000000e+00> : vector<1x512xf32>
      %dot_general3A_74 = tpu.matmul %convert_element_type3A_66, %convert_element_type3A_72, %dot_general3A_73 {dimension_numbers = #tpu.dot_dimension_numbers<[1], [0], [0], [1], [0, 0, 1, 1], [], []>, transpose_lhs_hint = false} : vector<1x512xbf16>, vector<512x512xbf16>, vector<1x512xf32> -> vector<1x512xf32>
      %get3A_75 = arith.constant 1 : index
      %get3A_76 = arith.constant 0 : index
      %get3A_77 = arith.constant 0 : index
      %get3A_78 = vector.load %arg9[%get3A_75, %get3A_76, %get3A_77] : memref<2x512x512xf32, #tpu.memory_space<vmem>>, vector<1x512x512xf32>
      %get3A_79 = vector.shape_cast %get3A_78 : vector<1x512x512xf32> to vector<512x512xf32>
      %convert_element_type3A_80 = arith.truncf %get3A_79 : vector<512x512xf32> to vector<512x512xbf16>
      %dot_general3A_81 = arith.constant dense<0.000000e+00> : vector<1x512xf32>
      %dot_general3A_82 = tpu.matmul %convert_element_type3A_66, %convert_element_type3A_80, %dot_general3A_81 {dimension_numbers = #tpu.dot_dimension_numbers<[1], [0], [0], [1], [0, 0, 1, 1], [], []>, transpose_lhs_hint = false} : vector<1x512xbf16>, vector<512x512xbf16>, vector<1x512xf32> -> vector<1x512xf32>
      %concatenate3A = tpu.concatenate %dot_general3A_74, %dot_general3A_82 in 0 : vector<1x512xf32>, vector<1x512xf32> -> vector<2x512xf32>
      %swap3A = arith.constant 0 : index
      %swap3A_83 = arith.constant 0 : index
      %swap3A_84 = vector.load %arg28[%swap3A, %swap3A_83] : memref<2x512xf32, #tpu.memory_space<vmem>>, vector<2x512xf32>
      tpu.vector_store %arg28[%swap3A, %swap3A_83], %concatenate3A {strides = array<i32>} : memref<2x512xf32, #tpu.memory_space<vmem>>, vector<2x512xf32>,
    } else {
    }
    %ge3A = arith.constant 1 : i32
    %ge3A_2 = arith.cmpi sge, %arg0, %ge3A : i32
    %le3A = arith.constant 5 : i32
    %le3A_3 = arith.cmpi sle, %arg0, %le3A : i32
    %and3A = arith.andi %ge3A_2, %le3A_3 : i1
    %convert_element_type3A_4 = arith.extui %and3A : i1 to i32
    %cond3A_5 = arith.constant 0 : i32
    %cond3A_6 = arith.cmpi ne, %convert_element_type3A_4, %cond3A_5 : i32
    scf.if %cond3A_6 {
      %sub3A = arith.constant 1 : i32
      %sub3A_12 = arith.subi %arg0, %sub3A : i32
      %get3A = arith.constant 0 : index
      %get3A_13 = arith.constant 0 : index
      %get3A_14 = vector.load %arg1[%get3A, %get3A_13] : memref<2048x512xf32, #tpu.memory_space<vmem>>, vector<2048x512xf32>
      %convert_element_type3A_15 = arith.truncf %get3A_14 : vector<2048x512xf32> to vector<2048x512xbf16>
      %get3A_16 = arith.constant 0 : index
      %get3A_17 = arith.constant 0 : index
      %get3A_18 = vector.load %arg10[%get3A_16, %get3A_17] : memref<512x512xf32, #tpu.memory_space<vmem>>, vector<512x512xf32>
      %convert_element_type3A_19 = arith.truncf %get3A_18 : vector<512x512xf32> to vector<512x512xbf16>
      %dot_general3A = arith.constant dense<0.000000e+00> : vector<2048x512xf32>
      %dot_general3A_20 = tpu.matmul %convert_element_type3A_15, %convert_element_type3A_19, %dot_general3A {dimension_numbers = #tpu.dot_dimension_numbers<[1], [0], [0], [1], [0, 0, 1, 1], [], []>, transpose_lhs_hint = false} : vector<2048x512xbf16>, vector<512x512xbf16>, vector<2048x512xf32> -> vector<2048x512xf32>
      %get3A_21 = arith.constant 0 : index
      %get3A_22 = arith.constant 0 : index
      %get3A_23 = vector.load %arg13[%get3A_21, %get3A_22] : memref<1x512xf32, #tpu.memory_space<vmem>>, vector<1x512xf32>
      %add3A = vector.broadcast %get3A_23 : vector<1x512xf32> to vector<2048x512xf32>
      %add3A_24 = arith.addf %dot_general3A_20, %add3A : vector<2048x512xf32>
      %max3A = arith.constant 0.000000e+00 : f32
      %max3A_25 = vector.broadcast %max3A : f32 to vector<2048x512xf32>
      %max3A_26 = arith.maximumf %add3A_24, %max3A_25 : vector<2048x512xf32>
      %convert_element_type3A_27 = arith.truncf %max3A_26 : vector<2048x512xf32> to vector<2048x512xbf16>
      %get3A_28 = arith.constant 0 : index
      %get3A_29 = arith.constant 0 : index
      %get3A_30 = vector.load %arg11[%get3A_28, %get3A_29] : memref<512x512xf32, #tpu.memory_space<vmem>>, vector<512x512xf32>
      %convert_element_type3A_31 = arith.truncf %get3A_30 : vector<512x512xf32> to vector<512x512xbf16>
      %dot_general3A_32 = arith.constant dense<0.000000e+00> : vector<2048x512xf32>
      %dot_general3A_33 = tpu.matmul %convert_element_type3A_27, %convert_element_type3A_31, %dot_general3A_32 {dimension_numbers = #tpu.dot_dimension_numbers<[1], [0], [0], [1], [0, 0, 1, 1], [], []>, transpose_lhs_hint = false} : vector<2048x512xbf16>, vector<512x512xbf16>, vector<2048x512xf32> -> vector<2048x512xf32>
      %get3A_34 = arith.constant 0 : index
      %get3A_35 = arith.constant 0 : index
      %get3A_36 = vector.load %arg14[%get3A_34, %get3A_35] : memref<1x512xf32, #tpu.memory_space<vmem>>, vector<1x512xf32>
      %add3A_37 = vector.broadcast %get3A_36 : vector<1x512xf32> to vector<2048x512xf32>
      %add3A_38 = arith.addf %dot_general3A_33, %add3A_37 : vector<2048x512xf32>
      %max3A_39 = arith.constant 0.000000e+00 : f32
      %max3A_40 = vector.broadcast %max3A_39 : f32 to vector<2048x512xf32>
      %max3A_41 = arith.maximumf %add3A_38, %max3A_40 : vector<2048x512xf32>
      %convert_element_type3A_42 = arith.truncf %max3A_41 : vector<2048x512xf32> to vector<2048x512xbf16>
      %get3A_43 = arith.constant 0 : index
      %get3A_44 = arith.constant 0 : index
      %get3A_45 = vector.load %arg12[%get3A_43, %get3A_44] : memref<512x512xf32, #tpu.memory_space<vmem>>, vector<512x512xf32>
      %convert_element_type3A_46 = arith.truncf %get3A_45 : vector<512x512xf32> to vector<512x512xbf16>
      %dot_general3A_47 = arith.constant dense<0.000000e+00> : vector<2048x512xf32>
      %dot_general3A_48 = tpu.matmul %convert_element_type3A_42, %convert_element_type3A_46, %dot_general3A_47 {dimension_numbers = #tpu.dot_dimension_numbers<[1], [0], [0], [1], [0, 0, 1, 1], [], []>, transpose_lhs_hint = false} : vector<2048x512xbf16>, vector<512x512xbf16>, vector<2048x512xf32> -> vector<2048x512xf32>
      %get3A_49 = arith.constant 0 : index
      %get3A_50 = arith.constant 0 : index
      %get3A_51 = vector.load %arg15[%get3A_49, %get3A_50] : memref<1x512xf32, #tpu.memory_space<vmem>>, vector<1x512xf32>
      %add3A_52 = vector.broadcast %get3A_51 : vector<1x512xf32> to vector<2048x512xf32>
      %add3A_53 = arith.addf %dot_general3A_48, %add3A_52 : vector<2048x512xf32>
      %max3A_54 = arith.constant 0.000000e+00 : f32
      %max3A_55 = vector.broadcast %max3A_54 : f32 to vector<2048x512xf32>
      %max3A_56 = arith.maximumf %add3A_53, %max3A_55 : vector<2048x512xf32>
      %convert_element_type3A_57 = arith.truncf %max3A_56 : vector<2048x512xf32> to vector<2048x512xbf16>
      %get3A_58 = arith.constant 0 : index
      %get3A_59 = arith.constant 0 : index
      %get3A_60 = vector.load %arg16[%get3A_58, %get3A_59] : memref<512x512xf32, #tpu.memory_space<vmem>>, vector<512x512xf32>
      %convert_element_type3A_61 = arith.truncf %get3A_60 : vector<512x512xf32> to vector<512x512xbf16>
      %dot_general3A_62 = arith.constant dense<0.000000e+00> : vector<2048x512xf32>
      %dot_general3A_63 = tpu.matmul %convert_element_type3A_15, %convert_element_type3A_61, %dot_general3A_62 {dimension_numbers = #tpu.dot_dimension_numbers<[1], [0], [0], [1], [0, 0, 1, 1], [], []>, transpose_lhs_hint = false} : vector<2048x512xbf16>, vector<512x512xbf16>, vector<2048x512xf32> -> vector<2048x512xf32>
      %get3A_64 = arith.constant 0 : index
      %get3A_65 = arith.constant 0 : index
      %get3A_66 = vector.load %arg19[%get3A_64, %get3A_65] : memref<1x512xf32, #tpu.memory_space<vmem>>, vector<1x512xf32>
      %add3A_67 = vector.broadcast %get3A_66 : vector<1x512xf32> to vector<2048x512xf32>
      %add3A_68 = arith.addf %dot_general3A_63, %add3A_67 : vector<2048x512xf32>
      %max3A_69 = arith.constant 0.000000e+00 : f32
      %max3A_70 = vector.broadcast %max3A_69 : f32 to vector<2048x512xf32>
      %max3A_71 = arith.maximumf %add3A_68, %max3A_70 : vector<2048x512xf32>
      %convert_element_type3A_72 = arith.truncf %max3A_71 : vector<2048x512xf32> to vector<2048x512xbf16>
      %get3A_73 = arith.constant 0 : index
      %get3A_74 = arith.constant 0 : index
      %get3A_75 = vector.load %arg17[%get3A_73, %get3A_74] : memref<512x512xf32, #tpu.memory_space<vmem>>, vector<512x512xf32>
      %convert_element_type3A_76 = arith.truncf %get3A_75 : vector<512x512xf32> to vector<512x512xbf16>
      %dot_general3A_77 = arith.constant dense<0.000000e+00> : vector<2048x512xf32>
      %dot_general3A_78 = tpu.matmul %convert_element_type3A_72, %convert_element_type3A_76, %dot_general3A_77 {dimension_numbers = #tpu.dot_dimension_numbers<[1], [0], [0], [1], [0, 0, 1, 1], [], []>, transpose_lhs_hint = false} : vector<2048x512xbf16>, vector<512x512xbf16>, vector<2048x512xf32> -> vector<2048x512xf32>
      %get3A_79 = arith.constant 0 : index
      %get3A_80 = arith.constant 0 : index
      %get3A_81 = vector.load %arg20[%get3A_79, %get3A_80] : memref<1x512xf32, #tpu.memory_space<vmem>>, vector<1x512xf32>
      %add3A_82 = vector.broadcast %get3A_81 : vector<1x512xf32> to vector<2048x512xf32>
      %add3A_83 = arith.addf %dot_general3A_78, %add3A_82 : vector<2048x512xf32>
      %max3A_84 = arith.constant 0.000000e+00 : f32
      %max3A_85 = vector.broadcast %max3A_84 : f32 to vector<2048x512xf32>
      %max3A_86 = arith.maximumf %add3A_83, %max3A_85 : vector<2048x512xf32>
      %convert_element_type3A_87 = arith.truncf %max3A_86 : vector<2048x512xf32> to vector<2048x512xbf16>
      %get3A_88 = arith.constant 0 : index
      %get3A_89 = arith.constant 0 : index
      %get3A_90 = vector.load %arg18[%get3A_88, %get3A_89] : memref<512x512xf32, #tpu.memory_space<vmem>>, vector<512x512xf32>
      %convert_element_type3A_91 = arith.truncf %get3A_90 : vector<512x512xf32> to vector<512x512xbf16>
      %dot_general3A_92 = arith.constant dense<0.000000e+00> : vector<2048x512xf32>
      %dot_general3A_93 = tpu.matmul %convert_element_type3A_87, %convert_element_type3A_91, %dot_general3A_92 {dimension_numbers = #tpu.dot_dimension_numbers<[1], [0], [0], [1], [0, 0, 1, 1], [], []>, transpose_lhs_hint = false} : vector<2048x512xbf16>, vector<512x512xbf16>, vector<2048x512xf32> -> vector<2048x512xf32>
      %get3A_94 = arith.constant 0 : index
      %get3A_95 = arith.constant 0 : index
      %get3A_96 = vector.load %arg21[%get3A_94, %get3A_95] : memref<1x512xf32, #tpu.memory_space<vmem>>, vector<1x512xf32>
      %add3A_97 = vector.broadcast %get3A_96 : vector<1x512xf32> to vector<2048x512xf32>
      %add3A_98 = arith.addf %dot_general3A_93, %add3A_97 : vector<2048x512xf32>
      %max3A_99 = arith.constant 0.000000e+00 : f32
      %max3A_100 = vector.broadcast %max3A_99 : f32 to vector<2048x512xf32>
      %max3A_101 = arith.maximumf %add3A_98, %max3A_100 : vector<2048x512xf32>
      %convert_element_type3A_102 = arith.truncf %max3A_101 : vector<2048x512xf32> to vector<2048x512xbf16>
      %get3A_103 = arith.constant 0 : index
      %get3A_104 = arith.constant 0 : index
      %get3A_105 = vector.load %arg28[%get3A_103, %get3A_104] : memref<2x512xf32, #tpu.memory_space<vmem>>, vector<2x512xf32>
      %convert_element_type3A_106 = arith.truncf %get3A_105 : vector<2x512xf32> to vector<2x512xbf16>
      %dot_general3A_107 = arith.constant dense<0.000000e+00> : vector<2048x2xf32>
      %dot_general3A_108 = tpu.matmul %convert_element_type3A_57, %convert_element_type3A_106, %dot_general3A_107 {dimension_numbers = #tpu.dot_dimension_numbers<[1], [1], [0], [0], [0, 0, 1, 0], [], []>, transpose_lhs_hint = false} : vector<2048x512xbf16>, vector<2x512xbf16>, vector<2048x2xf32> -> vector<2048x2xf32>
      %get3A_109 = arith.constant 0 : index
      %get3A_110 = arith.constant 0 : index
      %get3A_111 = vector.load %arg22[%get3A_109, %get3A_110] : memref<1x2xf32, #tpu.memory_space<vmem>>, vector<1x2xf32>
      %add3A_112 = vector.broadcast %get3A_111 : vector<1x2xf32> to vector<2048x2xf32>
      %add3A_113 = arith.addf %dot_general3A_108, %add3A_112 : vector<2048x2xf32>
      %swap3A = arith.constant 0 : index
      %swap3A_114 = arith.constant 0 : index
      %swap3A_115 = vector.load %arg25[%swap3A, %swap3A_114] : memref<2048x2xf32, #tpu.memory_space<vmem>>, vector<2048x2xf32>
      tpu.vector_store %arg25[%swap3A, %swap3A_114], %add3A_113 {strides = array<i32>} : memref<2048x2xf32, #tpu.memory_space<vmem>>, vector<2048x2xf32>,
      %mul3A = arith.constant 2048 : i32
      %mul3A_116 = arith.muli %sub3A_12, %mul3A : i32
      %iota3A = tpu.iota {dimensions = array<i32: 0>} : vector<2048x1xi32>
      %add3A_117 = vector.broadcast %mul3A_116 : i32 to vector<2048x1xi32>
      %add3A_118 = arith.addi %add3A_117, %iota3A : vector<2048x1xi32>
      %lt3A = arith.constant 10000 : i32
      %lt3A_119 = vector.broadcast %lt3A : i32 to vector<2048x1xi32>
      %lt3A_120 = arith.cmpi slt, %add3A_118, %lt3A_119 : vector<2048x1xi32>
      %slice3A = vector.extract_strided_slice %add3A_113 {offsets = [0, 0], sizes = [2048, 1], strides = [1, 1]} : vector<2048x2xf32> to vector<2048x1xf32>
      %jit3A = arith.constant 0xFF800000 : f32
      %broadcast_in_dim3A = vector.broadcast %jit3A : f32 to vector<2048x1xf32>
      %select_n3A = arith.select %lt3A_120, %slice3A, %broadcast_in_dim3A : vector<2048x1xi1>, vector<2048x1xf32>
      %mul3A_121 = arith.constant 2048 : i32
      %mul3A_122 = arith.muli %sub3A_12, %mul3A_121 : i32
      %swap3A_123 = arith.index_cast %mul3A_122 : i32 to index
      %swap3A_124 = arith.constant 0 : index
      %swap3A_125 = vector.load %arg30[%swap3A_123, %swap3A_124] : memref<10240x1xf32, #tpu.memory_space<vmem>>, vector<2048x1xf32>
      tpu.vector_store %arg30[%swap3A_123, %swap3A_124], %select_n3A {strides = array<i32>} : memref<10240x1xf32, #tpu.memory_space<vmem>>, vector<2048x1xf32>,
      %reshape3A = vector.shape_cast %select_n3A : vector<2048x1xf32> to vector<16x128xf32>
      %mul3A_126 = arith.constant 16 : i32
      %mul3A_127 = arith.muli %sub3A_12, %mul3A_126 : i32
      %swap3A_128 = arith.index_cast %mul3A_127 : i32 to index
      %swap3A_129 = arith.constant 0 : index
      %swap3A_130 = vector.load %arg31[%swap3A_128, %swap3A_129] : memref<80x128xf32, #tpu.memory_space<vmem>>, vector<16x128xf32>
      tpu.vector_store %arg31[%swap3A_128, %swap3A_129], %reshape3A {strides = array<i32>} : memref<80x128xf32, #tpu.memory_space<vmem>>, vector<16x128xf32>,
      %lt3A_131 = arith.constant 10000 : i32
      %lt3A_132 = vector.broadcast %lt3A_131 : i32 to vector<2048x1xi32>
      %lt3A_133 = arith.cmpi slt, %add3A_118, %lt3A_132 : vector<2048x1xi32>
      %jit3A_134 = arith.constant 0.000000e+00 : bf16
      %broadcast_in_dim3A_135 = vector.shape_cast %lt3A_133 : vector<2048x1xi1> to vector<2048x1xi1>
      %broadcast_in_dim3A_136 = vector.broadcast %broadcast_in_dim3A_135 : vector<2048x1xi1> to vector<2048x512xi1>
      %broadcast_in_dim3A_137 = vector.broadcast %jit3A_134 : bf16 to vector<2048x512xbf16>
      %select_n3A_138 = arith.select %broadcast_in_dim3A_136, %convert_element_type3A_102, %broadcast_in_dim3A_137 : vector<2048x512xi1>, vector<2048x512xbf16>
      %mul3A_139 = arith.constant 2048 : i32
      %mul3A_140 = arith.muli %sub3A_12, %mul3A_139 : i32
      %swap3A_141 = arith.index_cast %mul3A_140 : i32 to index
      %swap3A_142 = arith.constant 0 : index
      %swap3A_143 = vector.load %arg29[%swap3A_141, %swap3A_142] : memref<10240x512xbf16, #tpu.memory_space<vmem>>, vector<2048x512xbf16>
      tpu.vector_store %arg29[%swap3A_141, %swap3A_142], %select_n3A_138 {strides = array<i32>} : memref<10240x512xbf16, #tpu.memory_space<vmem>>, vector<2048x512xbf16>,
    } else {
    }
    %eq3A_7 = arith.constant 6 : i32
    %eq3A_8 = arith.cmpi eq, %arg0, %eq3A_7 : i32
    %convert_element_type3A_9 = arith.extui %eq3A_8 : i1 to i32
    %cond3A_10 = arith.constant 0 : i32
    %cond3A_11 = arith.cmpi ne, %convert_element_type3A_9, %cond3A_10 : i32
    scf.if %cond3A_11 {
      %get3A = arith.constant 0 : index
      %get3A_12 = arith.constant 0 : index
      %get3A_13 = vector.load %arg31[%get3A, %get3A_12] : memref<80x128xf32, #tpu.memory_space<vmem>>, vector<80x128xf32>
      %bitcast_convert_type3A = tpu.bitcast %get3A_13 : vector<80x128xf32> -> vector<80x128xi32>
      %ge3A_14 = arith.constant -2147483648 : i32
      %ge3A_15 = vector.broadcast %ge3A_14 : i32 to vector<80x128xi32>
      %ge3A_16 = arith.cmpi uge, %bitcast_convert_type3A, %ge3A_15 : vector<80x128xi32>
      %not3A = arith.constant dense<-1> : vector<80x128xi32>
      %not3A_17 = arith.xori %bitcast_convert_type3A, %not3A : vector<80x128xi32>
      %or3A = arith.constant -2147483648 : i32
      %or3A_18 = vector.broadcast %or3A : i32 to vector<80x128xi32>
      %or3A_19 = arith.ori %bitcast_convert_type3A, %or3A_18 : vector<80x128xi32>
      %select_n3A = arith.select %ge3A_16, %not3A_17, %or3A_19 : vector<80x128xi1>, vector<80x128xi32>
      %scan3A = arith.constant -2147483648 : i32
      %scan3A_20 = arith.constant 0 : i32
      %scan3A_21 = arith.constant 0 : i32
      %scan3A_22 = arith.constant 32 : i32
      %scan3A_23 = arith.addi %scan3A_21, %scan3A_22 : i32
      %scan3A_24 = arith.constant 1 : i32
      %scan3A_25 = scf.for %scan3A_104 = %scan3A_21 to %scan3A_23 step %scan3A_24 iter_args(%scan3A_105 = %scan3A_20) -> (i32)  : i32 {
        %shift_right_logical3A = arith.shrui %scan3A, %scan3A_104 : i32
        %or3A_106 = arith.ori %scan3A_105, %shift_right_logical3A : i32
        %ge3A_107 = vector.broadcast %or3A_106 : i32 to vector<80x128xi32>
        %ge3A_108 = arith.cmpi uge, %select_n3A, %ge3A_107 : vector<80x128xi32>
        %convert_element_type3A_109 = arith.extui %ge3A_108 : vector<80x128xi1> to vector<80x128xi32>
        %reduce_sum3A_110 = vector.shape_cast %convert_element_type3A_109 : vector<80x128xi32> to vector<1x80x128xi32>
        %reduce_sum3A_111 = arith.constant dense<0> : vector<1xi32>
        %reduce_sum3A_112 = vector.multi_reduction <add>, %reduce_sum3A_110, %reduce_sum3A_111 [1, 2] : vector<1x80x128xi32> to vector<1xi32>
        %reduce_sum3A_113 = vector.shape_cast %reduce_sum3A_112 : vector<1xi32> to vector<1x1x1xi32>
        %reduce_sum3A_114 = vector.extract %reduce_sum3A_113[0, 0, 0] : i32 from vector<1x1x1xi32>
        %ge3A_115 = arith.constant 5000 : i32
        %ge3A_116 = arith.cmpi sge, %reduce_sum3A_114, %ge3A_115 : i32
        %select_n3A_117 = arith.select %ge3A_116, %or3A_106, %scan3A_105 : i32
        scf.yield %select_n3A_117 : i32
      }
      %scan3A_26 = arith.constant 32 : i32
      %gt3A = vector.broadcast %scan3A_25 : i32 to vector<80x128xi32>
      %gt3A_27 = arith.cmpi ugt, %select_n3A, %gt3A : vector<80x128xi32>
      %convert_element_type3A_28 = arith.extui %gt3A_27 : vector<80x128xi1> to vector<80x128xi32>
      %reduce_sum3A = vector.shape_cast %convert_element_type3A_28 : vector<80x128xi32> to vector<1x80x128xi32>
      %reduce_sum3A_29 = arith.constant dense<0> : vector<1xi32>
      %reduce_sum3A_30 = vector.multi_reduction <add>, %reduce_sum3A, %reduce_sum3A_29 [1, 2] : vector<1x80x128xi32> to vector<1xi32>
      %reduce_sum3A_31 = vector.shape_cast %reduce_sum3A_30 : vector<1xi32> to vector<1x1x1xi32>
      %reduce_sum3A_32 = vector.extract %reduce_sum3A_31[0, 0, 0] : i32 from vector<1x1x1xi32>
      %sub3A = arith.constant 5000 : i32
      %sub3A_33 = arith.subi %sub3A, %reduce_sum3A_32 : i32
      %iota3A = tpu.iota {dimensions = array<i32: 0>} : vector<80x128xi32>
      %mul3A = arith.constant 128 : i32
      %mul3A_34 = vector.broadcast %mul3A : i32 to vector<80x128xi32>
      %mul3A_35 = arith.muli %iota3A, %mul3A_34 : vector<80x128xi32>
      %iota3A_36 = tpu.iota {dimensions = array<i32: 1>} : vector<80x128xi32>
      %add3A = arith.addi %mul3A_35, %iota3A_36 : vector<80x128xi32>
      %eq3A_37 = vector.broadcast %scan3A_25 : i32 to vector<80x128xi32>
      %eq3A_38 = arith.cmpi eq, %select_n3A, %eq3A_37 : vector<80x128xi32>
      %scan3A_39 = arith.constant 0 : i32
      %scan3A_40 = arith.constant 0 : i32
      %scan3A_41 = arith.constant 15 : i32
      %scan3A_42 = arith.addi %scan3A_40, %scan3A_41 : i32
      %scan3A_43 = arith.constant 1 : i32
      %scan3A_44 = scf.for %scan3A_104 = %scan3A_40 to %scan3A_42 step %scan3A_43 iter_args(%scan3A_105 = %scan3A_39) -> (i32)  : i32 {
        %shift_right_logical3A = arith.constant 16384 : i32
        %shift_right_logical3A_106 = arith.shrui %shift_right_logical3A, %scan3A_104 : i32
        %or3A_107 = arith.ori %scan3A_105, %shift_right_logical3A_106 : i32
        %lt3A_108 = vector.broadcast %or3A_107 : i32 to vector<80x128xi32>
        %lt3A_109 = arith.cmpi slt, %add3A, %lt3A_108 : vector<80x128xi32>
        %and3A_110 = arith.andi %eq3A_38, %lt3A_109 : vector<80x128xi1>
        %convert_element_type3A_111 = arith.extui %and3A_110 : vector<80x128xi1> to vector<80x128xi32>
        %reduce_sum3A_112 = vector.shape_cast %convert_element_type3A_111 : vector<80x128xi32> to vector<1x80x128xi32>
        %reduce_sum3A_113 = arith.constant dense<0> : vector<1xi32>
        %reduce_sum3A_114 = vector.multi_reduction <add>, %reduce_sum3A_112, %reduce_sum3A_113 [1, 2] : vector<1x80x128xi32> to vector<1xi32>
        %reduce_sum3A_115 = vector.shape_cast %reduce_sum3A_114 : vector<1xi32> to vector<1x1x1xi32>
        %reduce_sum3A_116 = vector.extract %reduce_sum3A_115[0, 0, 0] : i32 from vector<1x1x1xi32>
        %lt3A_117 = arith.cmpi slt, %reduce_sum3A_116, %sub3A_33 : i32
        %select_n3A_118 = arith.select %lt3A_117, %or3A_107, %scan3A_105 : i32
        scf.yield %select_n3A_118 : i32
      }
      %scan3A_45 = arith.constant 15 : i32
      %add3A_46 = arith.constant 1 : i32
      %add3A_47 = arith.addi %scan3A_44, %add3A_46 : i32
      %reduce_max3A = vector.shape_cast %get3A_13 : vector<80x128xf32> to vector<1x80x128xf32>
      %reduce_max3A_48 = arith.constant dense<0xFF800000> : vector<1xf32>
      %reduce_max3A_49 = vector.multi_reduction <maximumf>, %reduce_max3A, %reduce_max3A_48 [1, 2] : vector<1x80x128xf32> to vector<1xf32>
      %reduce_max3A_50 = vector.shape_cast %reduce_max3A_49 : vector<1xf32> to vector<1x1x1xf32>
      %reduce_max3A_51 = vector.extract %reduce_max3A_50[0, 0, 0] : f32 from vector<1x1x1xf32>
      %get3A_52 = arith.constant 0 : index
      %get3A_53 = arith.constant 0 : index
      %get3A_54 = vector.load %arg30[%get3A_52, %get3A_53] : memref<10240x1xf32, #tpu.memory_space<vmem>>, vector<10240x1xf32>
      %bitcast_convert_type3A_55 = tpu.bitcast %get3A_54 : vector<10240x1xf32> -> vector<10240x1xi32>
      %ge3A_56 = arith.constant -2147483648 : i32
      %ge3A_57 = vector.broadcast %ge3A_56 : i32 to vector<10240x1xi32>
      %ge3A_58 = arith.cmpi uge, %bitcast_convert_type3A_55, %ge3A_57 : vector<10240x1xi32>
      %not3A_59 = arith.constant dense<-1> : vector<10240x1xi32>
      %not3A_60 = arith.xori %bitcast_convert_type3A_55, %not3A_59 : vector<10240x1xi32>
      %or3A_61 = arith.constant -2147483648 : i32
      %or3A_62 = vector.broadcast %or3A_61 : i32 to vector<10240x1xi32>
      %or3A_63 = arith.ori %bitcast_convert_type3A_55, %or3A_62 : vector<10240x1xi32>
      %select_n3A_64 = arith.select %ge3A_58, %not3A_60, %or3A_63 : vector<10240x1xi1>, vector<10240x1xi32>
      %iota3A_65 = tpu.iota {dimensions = array<i32: 0>} : vector<10240x1xi32>
      %gt3A_66 = vector.broadcast %scan3A_25 : i32 to vector<10240x1xi32>
      %gt3A_67 = arith.cmpi ugt, %select_n3A_64, %gt3A_66 : vector<10240x1xi32>
      %eq3A_68 = vector.broadcast %scan3A_25 : i32 to vector<10240x1xi32>
      %eq3A_69 = arith.cmpi eq, %select_n3A_64, %eq3A_68 : vector<10240x1xi32>
      %lt3A = vector.broadcast %add3A_47 : i32 to vector<10240x1xi32>
      %lt3A_70 = arith.cmpi slt, %iota3A_65, %lt3A : vector<10240x1xi32>
      %and3A_71 = arith.andi %eq3A_69, %lt3A_70 : vector<10240x1xi1>
      %or3A_72 = arith.ori %gt3A_67, %and3A_71 : vector<10240x1xi1>
      %sub3A_73 = vector.broadcast %reduce_max3A_51 : f32 to vector<10240x1xf32>
      %sub3A_74 = arith.subf %get3A_54, %sub3A_73 : vector<10240x1xf32>
      %exp3A = math.exp %sub3A_74 : vector<10240x1xf32>
      %jit3A = arith.constant 0.000000e+00 : f32
      %broadcast_in_dim3A = vector.broadcast %jit3A : f32 to vector<10240x1xf32>
      %select_n3A_75 = arith.select %or3A_72, %exp3A, %broadcast_in_dim3A : vector<10240x1xi1>, vector<10240x1xf32>
      %convert_element_type3A_76 = arith.truncf %select_n3A_75 : vector<10240x1xf32> to vector<10240x1xbf16>
      %convert_element_type3A_77 = arith.extf %convert_element_type3A_76 : vector<10240x1xbf16> to vector<10240x1xf32>
      %reduce_sum3A_78 = vector.shape_cast %convert_element_type3A_77 : vector<10240x1xf32> to vector<1x10240x1xf32>
      %reduce_sum3A_79 = arith.constant dense<0.000000e+00> : vector<1xf32>
      %reduce_sum3A_80 = vector.multi_reduction <add>, %reduce_sum3A_78, %reduce_sum3A_79 [1, 2] : vector<1x10240x1xf32> to vector<1xf32>
      %reduce_sum3A_81 = vector.shape_cast %reduce_sum3A_80 : vector<1xf32> to vector<1x1x1xf32>
      %reduce_sum3A_82 = vector.extract %reduce_sum3A_81[0, 0, 0] : f32 from vector<1x1x1xf32>
      %get3A_83 = arith.constant 0 : index
      %get3A_84 = arith.constant 0 : index
      %get3A_85 = vector.load %arg29[%get3A_83, %get3A_84] : memref<10240x512xbf16, #tpu.memory_space<vmem>>, vector<10240x512xbf16>
      %dot_general3A = arith.constant dense<0.000000e+00> : vector<1x512xf32>
      %dot_general3A_86 = tpu.matmul %convert_element_type3A_76, %get3A_85, %dot_general3A {dimension_numbers = #tpu.dot_dimension_numbers<[0], [0], [1], [1], [0, 1, 1, 1], [], []>, transpose_lhs_hint = false} : vector<10240x1xbf16>, vector<10240x512xbf16>, vector<1x512xf32> -> vector<1x512xf32>
      %div3A = vector.broadcast %reduce_sum3A_82 : f32 to vector<1x512xf32>
      %div3A_87 = arith.divf %dot_general3A_86, %div3A : vector<1x512xf32>
      %swap3A = arith.constant 0 : index
      %swap3A_88 = arith.constant 0 : index
      %swap3A_89 = vector.load %arg26[%swap3A, %swap3A_88] : memref<1x512xf32, #tpu.memory_space<vmem>>, vector<1x512xf32>
      tpu.vector_store %arg26[%swap3A, %swap3A_88], %div3A_87 {strides = array<i32>} : memref<1x512xf32, #tpu.memory_space<vmem>>, vector<1x512xf32>,
      %convert_element_type3A_90 = arith.truncf %div3A_87 : vector<1x512xf32> to vector<1x512xbf16>
      %get3A_91 = arith.constant 0 : index
      %get3A_92 = arith.constant 0 : index
      %get3A_93 = vector.load %arg23[%get3A_91, %get3A_92] : memref<512x10xf32, #tpu.memory_space<vmem>>, vector<512x10xf32>
      %convert_element_type3A_94 = arith.truncf %get3A_93 : vector<512x10xf32> to vector<512x10xbf16>
      %dot_general3A_95 = arith.constant dense<0.000000e+00> : vector<1x10xf32>
      %dot_general3A_96 = tpu.matmul %convert_element_type3A_90, %convert_element_type3A_94, %dot_general3A_95 {dimension_numbers = #tpu.dot_dimension_numbers<[1], [0], [0], [1], [0, 0, 1, 1], [], []>, transpose_lhs_hint = false} : vector<1x512xbf16>, vector<512x10xbf16>, vector<1x10xf32> -> vector<1x10xf32>
      %get3A_97 = arith.constant 0 : index
      %get3A_98 = arith.constant 0 : index
      %get3A_99 = vector.load %arg24[%get3A_97, %get3A_98] : memref<1x10xf32, #tpu.memory_space<vmem>>, vector<1x10xf32>
      %add3A_100 = arith.addf %dot_general3A_96, %get3A_99 : vector<1x10xf32>
      %swap3A_101 = arith.constant 0 : index
      %swap3A_102 = arith.constant 0 : index
      %swap3A_103 = vector.load %arg27[%swap3A_101, %swap3A_102] : memref<1x10xf32, #tpu.memory_space<vmem>>, vector<1x10xf32>
      tpu.vector_store %arg27[%swap3A_101, %swap3A_102], %add3A_100 {strides = array<i32>} : memref<1x10xf32, #tpu.memory_space<vmem>>, vector<1x10xf32>,
    } else {
    }
    return
  }
  func.func @transform_0(%arg0: i32) -> (i32, i32) {
    %sub3A = arith.constant 1 : i32
    %sub3A_0 = arith.subi %arg0, %sub3A : i32
    %jit3A = arith.constant 0 : i32
    %jit3A_1 = arith.constant 4 : i32
    %max3A = arith.maxsi %jit3A, %sub3A_0 : i32
    %min3A = arith.minsi %jit3A_1, %max3A : i32
    %c0_i32 = arith.constant 0 : i32
    %c0_i32_2 = arith.constant 0 : i32
    return %min3A, %c0_i32 : i32, i32
  }
  func.func @transform_1(%arg0: i32) -> (i32, i32) {
    %c0_i32 = arith.constant 0 : i32
    %c0_i32_0 = arith.constant 0 : i32
    %c0_i32_1 = arith.constant 0 : i32
    return %c0_i32, %c0_i32_0 : i32, i32
  }
  func.func @transform_2(%arg0: i32) -> (i32, i32) {
    %c0_i32 = arith.constant 0 : i32
    %c0_i32_0 = arith.constant 0 : i32
    %c0_i32_1 = arith.constant 0 : i32
    return %c0_i32, %c0_i32_0 : i32, i32
  }
  func.func @transform_3(%arg0: i32) -> (i32, i32) {
    %c0_i32 = arith.constant 0 : i32
    %c0_i32_0 = arith.constant 0 : i32
    %c0_i32_1 = arith.constant 0 : i32
    return %c0_i32, %c0_i32_0 : i32, i32
  }
  func.func @transform_4(%arg0: i32) -> (i32, i32) {
    %c0_i32 = arith.constant 0 : i32
    %c0_i32_0 = arith.constant 0 : i32
    %c0_i32_1 = arith.constant 0 : i32
    return %c0_i32, %c0_i32_0 : i32, i32
  }
  func.func @transform_5(%arg0: i32) -> (i32, i32) {
    %c0_i32 = arith.constant 0 : i32
    %c0_i32_0 = arith.constant 0 : i32
    %c0_i32_1 = arith.constant 0 : i32
    return %c0_i32, %c0_i32_0 : i32, i32
  }
  func.func @transform_6(%arg0: i32) -> (i32, i32) {
    %c0_i32 = arith.constant 0 : i32
    %c0_i32_0 = arith.constant 0 : i32
    %c0_i32_1 = arith.constant 0 : i32
    return %c0_i32, %c0_i32_0 : i32, i32
  }
  func.func @transform_7(%arg0: i32) -> (i32, i32) {
    %c0_i32 = arith.constant 0 : i32
    %c0_i32_0 = arith.constant 0 : i32
    %c0_i32_1 = arith.constant 0 : i32
    return %c0_i32, %c0_i32_0 : i32, i32
  }
  func.func @transform_8(%arg0: i32) -> (i32, i32, i32) {
    %c0_i32 = arith.constant 0 : i32
    %c0_i32_0 = arith.constant 0 : i32
    %c0_i32_1 = arith.constant 0 : i32
    %c0_i32_2 = arith.constant 0 : i32
    return %c0_i32, %c0_i32_0, %c0_i32_1 : i32, i32, i32
  }
  func.func @transform_9(%arg0: i32) -> (i32, i32) {
    %c0_i32 = arith.constant 0 : i32
    %c0_i32_0 = arith.constant 0 : i32
    %c0_i32_1 = arith.constant 0 : i32
    return %c0_i32, %c0_i32_0 : i32, i32
  }
  func.func @transform_10(%arg0: i32) -> (i32, i32) {
    %c0_i32 = arith.constant 0 : i32
    %c0_i32_0 = arith.constant 0 : i32
    %c0_i32_1 = arith.constant 0 : i32
    return %c0_i32, %c0_i32_0 : i32, i32
  }
  func.func @transform_11(%arg0: i32) -> (i32, i32) {
    %c0_i32 = arith.constant 0 : i32
    %c0_i32_0 = arith.constant 0 : i32
    %c0_i32_1 = arith.constant 0 : i32
    return %c0_i32, %c0_i32_0 : i32, i32
  }
  func.func @transform_12(%arg0: i32) -> (i32, i32) {
    %c0_i32 = arith.constant 0 : i32
    %c0_i32_0 = arith.constant 0 : i32
    %c0_i32_1 = arith.constant 0 : i32
    return %c0_i32, %c0_i32_0 : i32, i32
  }
  func.func @transform_13(%arg0: i32) -> (i32, i32) {
    %c0_i32 = arith.constant 0 : i32
    %c0_i32_0 = arith.constant 0 : i32
    %c0_i32_1 = arith.constant 0 : i32
    return %c0_i32, %c0_i32_0 : i32, i32
  }
  func.func @transform_14(%arg0: i32) -> (i32, i32) {
    %c0_i32 = arith.constant 0 : i32
    %c0_i32_0 = arith.constant 0 : i32
    %c0_i32_1 = arith.constant 0 : i32
    return %c0_i32, %c0_i32_0 : i32, i32
  }
  func.func @transform_15(%arg0: i32) -> (i32, i32) {
    %c0_i32 = arith.constant 0 : i32
    %c0_i32_0 = arith.constant 0 : i32
    %c0_i32_1 = arith.constant 0 : i32
    return %c0_i32, %c0_i32_0 : i32, i32
  }
  func.func @transform_16(%arg0: i32) -> (i32, i32) {
    %c0_i32 = arith.constant 0 : i32
    %c0_i32_0 = arith.constant 0 : i32
    %c0_i32_1 = arith.constant 0 : i32
    return %c0_i32, %c0_i32_0 : i32, i32
  }
  func.func @transform_17(%arg0: i32) -> (i32, i32) {
    %c0_i32 = arith.constant 0 : i32
    %c0_i32_0 = arith.constant 0 : i32
    %c0_i32_1 = arith.constant 0 : i32
    return %c0_i32, %c0_i32_0 : i32, i32
  }
  func.func @transform_18(%arg0: i32) -> (i32, i32) {
    %c0_i32 = arith.constant 0 : i32
    %c0_i32_0 = arith.constant 0 : i32
    %c0_i32_1 = arith.constant 0 : i32
    return %c0_i32, %c0_i32_0 : i32, i32
  }
  func.func @transform_19(%arg0: i32) -> (i32, i32) {
    %c0_i32 = arith.constant 0 : i32
    %c0_i32_0 = arith.constant 0 : i32
    %c0_i32_1 = arith.constant 0 : i32
    return %c0_i32, %c0_i32_0 : i32, i32
  }
  func.func @transform_20(%arg0: i32) -> (i32, i32) {
    %c0_i32 = arith.constant 0 : i32
    %c0_i32_0 = arith.constant 0 : i32
    %c0_i32_1 = arith.constant 0 : i32
    return %c0_i32, %c0_i32_0 : i32, i32
  }
  func.func @transform_21(%arg0: i32) -> (i32, i32) {
    %c0_i32 = arith.constant 0 : i32
    %c0_i32_0 = arith.constant 0 : i32
    %c0_i32_1 = arith.constant 0 : i32
    return %c0_i32, %c0_i32_0 : i32, i32
  }
  func.func @transform_22(%arg0: i32) -> (i32, i32) {
    %c0_i32 = arith.constant 0 : i32
    %c0_i32_0 = arith.constant 0 : i32
    %c0_i32_1 = arith.constant 0 : i32
    return %c0_i32, %c0_i32_0 : i32, i32
  }
  func.func @transform_23(%arg0: i32) -> (i32, i32) {
    %c0_i32 = arith.constant 0 : i32
    %c0_i32_0 = arith.constant 0 : i32
    %c0_i32_1 = arith.constant 0 : i32
    return %c0_i32, %c0_i32_0 : i32, i32
  }
  func.func @transform_24(%arg0: i32) -> (i32, i32) {
    %sub3A = arith.constant 1 : i32
    %sub3A_0 = arith.subi %arg0, %sub3A : i32
    %jit3A = arith.constant 0 : i32
    %jit3A_1 = arith.constant 4 : i32
    %max3A = arith.maxsi %jit3A, %sub3A_0 : i32
    %min3A = arith.minsi %jit3A_1, %max3A : i32
    %c0_i32 = arith.constant 0 : i32
    %c0_i32_2 = arith.constant 0 : i32
    return %min3A, %c0_i32 : i32, i32
  }
  func.func @transform_25(%arg0: i32) -> (i32, i32) {
    %c0_i32 = arith.constant 0 : i32
    %c0_i32_0 = arith.constant 0 : i32
    %c0_i32_1 = arith.constant 0 : i32
    return %c0_i32, %c0_i32_0 : i32, i32
  }
  func.func @transform_26(%arg0: i32) -> (i32, i32) {
    %c0_i32 = arith.constant 0 : i32
    %c0_i32_0 = arith.constant 0 : i32
    %c0_i32_1 = arith.constant 0 : i32
    return %c0_i32, %c0_i32_0 : i32, i32
  }
}

</mosaic_0001>

<sc_bundles>
// kernel: kernel.4.cloned.1.call-start
scs
__scs_entry_jumppad:
0x0: {  	(pc) =	sbr.rel $0x88, $3  }
0x1: {  	(tag) =	ssettag $0x0;
	lr =	simm.s32 $0x1  }
0x2: {  	[smem:$0x3F89] =	sst lr;
	_ =	strace $0xD0000000  }
0x3: {  	_ = 	snop  }
0x4: {  	_ = 	snop  }
0x5: {  	_ = 	snop  }
0x6: {  	_ = 	snop  }
0x7: {  	_ = 	snop  }
__scs_overlays_trampoline_lowered:
0x8: {  	[smem:$0x3F98] =	sst s0  }
0x9: {  	[smem:$0x3F99] =	sst s1  }
0xa: {  	[smem:$0x3F9A] =	sst s2  }
0xb: {  	[smem:$0x3F9B] =	sst s3  }
0xc: {  	[smem:$0x3F9C] =	sst s4  }
0xd: {  	[smem:$0x3F9D] =	sst s5  }
0xe: {  	[smem:$0x3F9E] =	sst s6  }
0xf: {  	[smem:$0x3F9F] =	sst s7  }
0x10: {  	[smem:$0x3FA0] =	sst s8  }
0x11: {  	[smem:$0x3FA1] =	sst s9;
	s0 =	simm.s32 @!p0 $0x0  }
0x12: {  	s1 =	sld [smem:$0x3F87];
	s0 =	simm.s32 @p0 $0x1  }
0x13: {  	[smem:$0x3FA2] =	sst s0;
	s0 =	simm.s32 @!p1 $0x0  }
0x14: {  	s2 =	sld [smem:$0x3F86];
	s0 =	simm.s32 @p1 $0x1  }
0x15: {  	[smem:$0x3FA3] =	sst s0;
	s0 =	simm.s32 @!p2 $0x0  }
0x16: {  	s3 =	sld [smem:$0x3FDB];
	s0 =	simm.s32 @p2 $0x1  }
0x17: {  	s4 =	simm.s32 $0x1BF5;
	[smem:$0x3FA5] =	sst s0  }
0x18: {  	s0 =	sld [smem:$0x3F88];
	_ =	swait.ge [sflag:s4], $0x0  }
0x19: {  	s7 =	sld [smem:$0x3F89]  }
0x1a: {  	s8 =	sadd.s32 $0xFFFFE003, lr  }
0x1b: {  	s9 =	sadd.s32 $0xFFFFFEF7, lr;
	s5 =	simm.s32 $0xFFFFFFFF;
	p2 =	slt.u32 s8, $0xFFFFF086  }
0x1c: {  	p1 =	slt.u32 s9, $0xF7A;
	s5 =	simm.s32 @!p2 $0x0  }
0x1d: {  	s5 =	simm.s32 @p1 $0x1;
	p0 =	seq.s32 s7, s2  }
0x1e: {  	s7 =	smul.u32 @!p0 $0xF7A, s2;
	p2 =	seq.s32 @!p0 s5, $0x0  }
0x1f: {  	s9 =	smul.u32 $0xF7A, s1;
	s8 =	simm.s32 @!p0 $0x1BF5;
	p2 =	por !p2, p0  }
0x20: {  	[sflag:s8] =	ssyncset.s32 @!p0 $0xFFFFF086;
	s6 =	sadd.s32 @!p0 s3, s7;
	s7 =	simm.s32 @!p0 $0x108  }
0x21: {  	s3 =	sadd.s32 s3, s9;
	s6 =	sadd.s32 @!p0 $0x88, s6;
	s7 =	simm.s32 @p2 $0x1082  }
0x22: {  	[simem:s7], [sflag:s8] =	dma.local @!p0 [hbm:s6], $0xF7A  }
0x23: {  	s9 =	sor.u32 $0xD0000000, s2;
	s6 =	simm.s32 $0x108;
	_ =	swait.ge @!p0 [sflag:s8], $0x0  }
0x24: {  	s3 =	sadd.s32 $0x88, s3;
	s6 =	simm.s32 @!p1 $0x1082;
	[sflag:s4] =	ssyncset.s32 $0xFFFFF086  }
0x25: {  	[simem:s6], [sflag:s4] =	dma.local [hbm:s3], $0xF7A  }
0x26: {  	[smem:$0x3F89] =	sst s1;
	(tag) =	ssettag s2;
	_ =	strace s9  }
0x27: {  	s1 =	sld [smem:$0x3F99]  }
0x28: {  	s2 =	sld [smem:$0x3F9A]  }
0x29: {  	s4 =	sld [smem:$0x3F9C]  }
0x2a: {  	p0 =	seq.s32 s5, $0x0;
	s5 =	sld [smem:$0x3F9D]  }
0x2b: {  	s6 =	sld [smem:$0x3F9E]  }
0x2c: {  	s7 =	sld [smem:$0x3F9F]  }
0x2d: {  	s3 =	simm.s32 $0x108;
	s8 =	sld [smem:$0x3FA0]  }
0x2e: {  	s3 =	simm.s32 @!p0 $0x1082;
	s9 =	sld [smem:$0x3FA1]  }
0x2f: {  	lr =	sadd.s32 s0, s3;
	s0 =	sld [smem:$0x3F98]  }
0x30: {  	s3 =	sld [smem:$0x3F9B]  }
0x31: {  	[smem:$0x3FA4] =	sst s10  }
0x32: {  	s10 =	sld [smem:$0x3FA2];
	_ =	sdelay $0x3  }
0x33: {  	p0 =	seq.s32 s10, $0x1;
	s10 =	sld [smem:$0x3FA4];
	_ =	sdelay $0x3  }
0x34: {  	[smem:$0x3FA4] =	sst s10  }
0x35: {  	s10 =	sld [smem:$0x3FA3];
	_ =	sdelay $0x3  }
0x36: {  	p1 =	seq.s32 s10, $0x1;
	s10 =	sld [smem:$0x3FA4];
	_ =	sdelay $0x3  }
0x37: {  	[smem:$0x3FA4] =	sst s10  }
0x38: {  	s10 =	sld [smem:$0x3FA5]  }
0x39: {  	_ = 	snop;
	(pc) =	sbr.ind lr, $3  }
0x3a: {  	_ = 	snop  }
0x3b: {  	_ = 	snop  }
0x3c: {  	p2 =	seq.s32 s10, $0x1;
	s10 =	sld [smem:$0x3FA4]  }
0x3d: {  	_ =	shalt  }
0x3e: {  	_ =	shalt  }
0x3f: {  	_ =	shalt  }
0x40: {  	_ =	shalt  }
0x41: {  	_ =	shalt  }
0x42: {  	_ =	shalt  }
0x43: {  	_ =	shalt  }
0x44: {  	_ =	shalt  }
0x45: {  	_ =	shalt  }
0x46: {  	_ =	shalt  }
0x47: {  	_ =	shalt  }
0x48: {  	_ =	shalt  }
0x49: {  	_ =	shalt  }
0x4a: {  	_ =	shalt  }
0x4b: {  	_ =	shalt  }
0x4c: {  	_ =	shalt  }
0x4d: {  	_ =	shalt  }
0x4e: {  	_ =	shalt  }
0x4f: {  	_ =	shalt  }
0x50: {  	_ =	shalt  }
0x51: {  	_ =	shalt  }
0x52: {  	_ =	shalt  }
0x53: {  	_ =	shalt  }
0x54: {  	_ =	shalt  }
0x55: {  	_ =	shalt  }
0x56: {  	_ =	shalt  }
0x57: {  	_ =	shalt  }
0x58: {  	_ =	shalt  }
0x59: {  	_ =	shalt  }
0x5a: {  	_ =	shalt  }
0x5b: {  	_ =	shalt  }
0x5c: {  	_ =	shalt  }
0x5d: {  	_ =	shalt  }
0x5e: {  	_ =	shalt  }
0x5f: {  	_ =	shalt  }
0x60: {  	_ =	shalt  }
0x61: {  	_ =	shalt  }
0x62: {  	_ =	shalt  }
0x63: {  	_ =	shalt  }
0x64: {  	_ =	shalt  }
0x65: {  	_ =	shalt  }
0x66: {  	_ =	shalt  }
0x67: {  	_ =	shalt  }
0x68: {  	_ =	shalt  }
0x69: {  	_ =	shalt  }
0x6a: {  	_ =	shalt  }
0x6b: {  	_ =	shalt  }
0x6c: {  	_ =	shalt  }
0x6d: {  	_ =	shalt  }
0x6e: {  	_ =	shalt  }
0x6f: {  	_ =	shalt  }
0x70: {  	_ =	shalt  }
0x71: {  	_ =	shalt  }
0x72: {  	_ =	shalt  }
0x73: {  	_ =	shalt  }
0x74: {  	_ =	shalt  }
0x75: {  	_ =	shalt  }
0x76: {  	_ =	shalt  }
0x77: {  	_ =	shalt  }
0x78: {  	_ =	shalt  }
0x79: {  	_ =	shalt  }
0x7a: {  	_ =	shalt  }
0x7b: {  	_ =	shalt  }
0x7c: {  	_ =	shalt  }
0x7d: {  	_ =	shalt  }
0x7e: {  	_ =	shalt  }
0x7f: {  	_ =	shalt  }
0x80: {  	_ =	shalt  }
0x81: {  	_ =	shalt  }
0x82: {  	_ =	shalt  }
0x83: {  	_ =	shalt  }
0x84: {  	_ =	shalt  }
0x85: {  	_ =	shalt  }
0x86: {  	_ =	shalt  }
0x87: {  	_ =	shalt  }
.Lfunc_end0:
.L_simem_size_0:
called_computation_lowered:
.L_overlay_start_0:
0x88: {  	s2 =	sld [smem:$0x3FD9]  }
0x89: {  	s3 =	sld [smem:$0x3FFE];
	_ =	sdelay $0x1  }
0x8a: {  	s1 =	srdreg.scid  }
0x8b: {  	s0 =	sand.u32 $0x1, s1  }
0x8c: {  	s14 =	sshll.u32 s0, $0xA;
	s2 =	sadd.s32 s3, s2  }
0x8d: {  	s2 =	sadd.s32 s2, s14  }
0x8e: {  	[smem:$0x3FB0] =	sst s2  }
0x8f: {  	_ = 	snop  }
0x90: {  	s2 =	sld [smem:$0x3FD0];
	_ =	sdelay $0x2  }
0x91: {  	s4 =	simm.s32 $0xA;
	s5 =	simm.s32 $0x10;
	s15 =	sld [smem:$0x3FC9]  }
0x92: {  	[smem:s5], [sflag:s4] =	dma.local [hbm:s2], $0x1  }
0x93: {  	_ =	swait.eq [sflag:s4], $0x1  }
0x94: {  	[sflag:s4] =	ssyncset.done $0x0  }
0x95: {  	[sflag:s4] =	ssyncadd.s32 $0xFFFFFFFF  }
0x96: {  	s16 =	sld [smem:$0x12];
	(tm) =	ssettm $0x1  }
0x97: {  	s17 =	sld [smem:$0x3FFB];
	_ =	sdelay $0x3  }
0x98: {  	_ =	strace s17  }
0x99: {  	s4 =	sld [smem:$0x3FFC];
	_ =	sdelay $0x3  }
0x9a: {  	_ =	strace s4  }
0x9b: {  	s4 =	sld [smem:$0x3FFD];
	_ =	sdelay $0x3  }
0x9c: {  	_ =	strace s4  }
0x9d: {  	_ =	strace $0x8FFFFFFF  }
0x9e: {  	s18 =	sld [smem:$0x3FDB];
	_ =	sdelay $0x1  }
0x9f: {  	s19 =	simm.s32 $_scs_section_size  }
0xa0: {  	s6 =	simm.s32 $_size__tile_overlayer_lowered;
	s7 =	simm.s32 $_tile_overlayer_lowered  }
0xa1: {  	s22 =	simm.s32 $0x1BFF;
	s21 =	sshll.u32 s7, $0x1;
	s4 =	sadd.s32 s19, s18  }
0xa2: {  	s8 =	simm.s32 $0x0;
	s20 =	sshll.u32 s6, $0x1;
	s6 =	sadd.s32 s21, s4  }
0xa3: {  	[timem:s8], [sflag:s22] =	dma.local [hbm:s6], s20  }
0xa4: {  	_ =	swait.ge [sflag:s22], s20  }
0xa5: {  	s5 =	ssub.s32 $0x0, s20;
	[sflag:s22] =	ssyncset.done $0x0  }
0xa6: {  	[sflag:s22] =	ssyncadd.s32 s5;
	_ =	sdelay $0x1  }
0xa7: {  	s23 =	simm.s32 $0x1B8B  }
0xa8: {  	_ =	swait.ge [sflag:s23], $0x1  }
0xa9: {  	[sflag:s23] =	ssyncset.done $0x0  }
0xaa: {  	s25 =	simm.s32 $0x1B8E;
	s24 =	sld [smem:$0x3FFE];
	[sflag:s23] =	ssyncadd.s32 $0xFFFFFFFF  }
0xab: {  	s26 =	simm.s32 $execute0_lowered;
	[smem:$0x3FD2] =	sst s25  }
0xac: {  	s6 =	sshll.u32 s26, $0x1;
	_ =	strace $0x80000046;
	[dreg:$0x1] =	wrdreg $0xFFFFFFFF  }
0xad: {  	s28 =	simm.s32 $_size_execute0_lowered;
	s4 =	sadd.s32 s4, s6;
	[dreg:$0x0] =	wrdreg $0x0  }
0xae: {  	s6 =	sshll.u32 s28, $0x1;
	[dreg:$0x2] =	wrdreg s4  }
0xaf: {  	[dreg:$0x3] =	wrdreg s6  }
0xb0: {  	[dreg:$0x4] =	wrdreg $0xC0  }
0xb1: {  	_ =	task [dreg:s8], $0x5FFFF  }
0xb2: {  	[dreg:$0x1] =	wrdreg $0xFFFFFFFF  }
0xb3: {  	[dreg:$0x0] =	wrdreg $0x60  }
0xb4: {  	[dreg:$0x2] =	wrdreg s15  }
0xb5: {  	[dreg:$0x3] =	wrdreg s16  }
0xb6: {  	[dreg:$0x4] =	wrdreg s24  }
0xb7: {  	[dreg:$0x5] =	wrdreg $0x9  }
0xb8: {  	_ =	task.clear_ibuf [dreg:s8], $0x6FFFF;
	_ =	strace $0x90000046  }
0xb9: {  	s29 =	simm.s32 $0x9;
	_ =	strace $0x80000048  }
0xba: {  	_ =	swait.ge [sflag:s29], $0x1  }
0xbb: {  	[sflag:s29] =	ssyncadd.s32 $0xFFFFFFFF  }
0xbc: {  	_ =	strace $0x90000048  }
0xbd: {  	_ =	sfence  }
0xbe: {  	s30 =	sld [smem:$0x0];
	_ =	sdelay $0x2  }
0xbf: {  	s31 =	sshll.u32 s1, $0xD;
	s1 =	sshrl.u32 s1, $0x2  }
0xc0: {  	s3 =	sand.u32 $0x4000, s31;
	s1 =	sadd.s32 s1, s30  }
0xc1: {  	s0 =	sor.u32 s3, s0;
	s1 =	sshll.u32 s1, $0x11  }
0xc2: {  	s0 =	sor.u32 s1, s0  }
0xc3: {  	s0 =	sadd.s32 $0x8F2B, s0  }
0xc4: {  	[sflag:s0] =	ssyncadd.remote.s32 $0x1  }
0xc5: {  	_ =	sfence.sel $0xFFFF  }
0xc6: {  	[dreg:$0x0] =	wrdreg $0xFFFFFFFF;
	(pc) =	sbr.abs _section_cstart, $3  }
0xc7: {  	[dreg:$0x1] =	wrdreg $0xFFFFFFFF  }
0xc8: {  	_ =	task.clear_ibuf [dreg:s8], $0x2FFFF;
	_ =	strace $0x9FFFFFFF  }
0xc9: {  	(tm) =	ssettm $0x7FFFFFFF  }
tec
execute0_lowered:
.L_overlay_start_1:
0x0: {  	(tag) =	ssettag $0x1  }
0x1: {  	s1 =	rddreg [dreg:$0x0]  }
0x2: {  	s4 =	rddreg [dreg:$0x1]  }
0x3: {  	s5 =	rddreg [dreg:$0x2];
	s3 =	srdreg.scid  }
0x4: {  	s0 =	rddreg [dreg:$0x3];
	s2 =	stileid.u32  }
0x5: {  	s10 =	simm.s32 $0x880;
	s11 =	simm.s32 $0x1080;
	s12 =	simm.s32 $0x1880  }
0x6: {  	s13 =	simm.s32 $0x2080;
	s14 =	simm.s32 $0x2880;
	s15 =	simm.s32 $0x3080  }
0x7: {  	s16 =	simm.s32 $0x3880;
	s17 =	simm.s32 $0x1;
	s6 =	sand.u32 $0x1, s3  }
0x8: {  	s3 =	simm.s32 $0x0;
	s7 =	sshll.u32 s2, $0x6;
	s8 =	sshll.u32 s6, $0x5  }
0x9: {  	[smem:$0x7FF] =	sst s3;
	s6 =	ssub.s32 $0x2, s6;
	s7 =	sor.u32 s8, s7  }
0xa: {  	_ =	strace $0x80000047;
	s31 =	sshrl.u32 s6, $0x1;
	s8 =	sshll.u32 s7, $0x6  }
0xb: {  	v2 =	vlaneseq.u32;
	s7 =	sshrl.u32 s7, $0x3;
	s9 =	ssub.s32 s6, s31;
	s8 =	sadd.s32 s8, s5  }
0xc: {  	vm0 =	vmmov $0xffff;
	v1 =	vshrl.u32 v2, $0x3;
	s4 =	sadd.s32 s4, s7;
	s5 =	sadd.s32 $0x100, s1;
	s7 =	smax.u32 s9, $0x1  }
0xd: {  	v0 =	vand.u32 $0x7, v2;
	v2 =	vor.u32 $0x8, v2;
	v1 =	vmul.u32 $0x8, v1;
	s9 =	simm.s32 $0x80;
	s6 =	sadd.s32 $0x3400, s8;
	s8 =	simm.s32 $0x2  }
.LBB2_1:
0xe: {  	[tilespmem:s3], [sflag:$0x2] =	stream.linear.gather [hbm4b:s4+s3], $0x20, $0x38;
	[tilespmem:$0x4080] =	vst v63  }
0xf: {  	_ =	swait.ge [sflag:s8], $0x20  }
0x10: {  	[sflag:s8] =	ssyncset.done $0x0  }
0x11: {  	[sflag:s8] =	ssyncadd.s32 $0xFFFFFFE0  }
0x12: {  	v3 =	vld [tilespmem:$0x0];
	_ =	sdelay $0x4  }
0x13: {  	v4 =	vshll.u32 v3, $0x2  }
0x14: {  	v3 =	vand.u32 $0x7, v3;
	v4 =	vand.u32 $0xFFFFFFE0, v4  }
0x15: {  	v3 =	vor.u32 v3, v4  }
0x16: {  	v4 =	vperm.xlane v3, v0;
	_ =	sdelay $0x1  }
0x17: {  	v4 =	vadd.s32 v1, v4;
	_ =	sdelay $0x1  }
0x18: {  	v3 =	vperm.xlane v3, v2;
	_ =	sdelay $0x1  }
0x19: {  	v3 =	vadd.s32 v1, v3  }
0x1a: {  	[tilespmem:s9], [sflag:$0x1] =	stream.indirect_vreg.gather [hbm4b:s1+s3], $0x80, v4, vm0, $0xb8;
	[tilespmem:$0x4080] =	vst v63  }
0x1b: {  	_ = 	snop  }
0x1c: {  	[tilespmem:s10], [sflag:$0x1] =	stream.indirect_vreg.gather [hbm4b:s5+s3], $0x80, v4, vm0, $0xb8;
	[tilespmem:$0x4080] =	vst v63  }
0x1d: {  	_ = 	snop  }
0x1e: {  	[tilespmem:s11], [sflag:$0x1] =	stream.indirect_vreg.gather [hbm4b:s1+s3], $0x80, v3, vm0, $0xb8;
	[tilespmem:$0x4080] =	vst v63  }
0x1f: {  	_ = 	snop  }
0x20: {  	[tilespmem:s12], [sflag:$0x1] =	stream.indirect_vreg.gather [hbm4b:s5+s3], $0x80, v3, vm0, $0xb8;
	[tilespmem:$0x4080] =	vst v63  }
0x21: {  	v3 =	vld [tilespmem:$0x10];
	_ =	sdelay $0x4  }
0x22: {  	v63 =	vshll.u32 v3, $0x2  }
0x23: {  	v3 =	vand.u32 $0x7, v3;
	v4 =	vand.u32 $0xFFFFFFE0, v63  }
0x24: {  	v3 =	vor.u32 v3, v4  }
0x25: {  	v4 =	vperm.xlane v3, v0;
	_ =	sdelay $0x1  }
0x26: {  	v4 =	vadd.s32 v1, v4;
	_ =	sdelay $0x1  }
0x27: {  	v3 =	vperm.xlane v3, v2;
	_ =	sdelay $0x1  }
0x28: {  	v3 =	vadd.s32 v1, v3  }
0x29: {  	[tilespmem:s13], [sflag:$0x1] =	stream.indirect_vreg.gather [hbm4b:s1+s3], $0x80, v4, vm0, $0xb8;
	[tilespmem:$0x4080] =	vst v63  }
0x2a: {  	_ = 	snop  }
0x2b: {  	[tilespmem:s14], [sflag:$0x1] =	stream.indirect_vreg.gather [hbm4b:s5+s3], $0x80, v4, vm0, $0xb8;
	[tilespmem:$0x4080] =	vst v63  }
0x2c: {  	_ = 	snop  }
0x2d: {  	[tilespmem:s15], [sflag:$0x1] =	stream.indirect_vreg.gather [hbm4b:s1+s3], $0x80, v3, vm0, $0xb8;
	[tilespmem:$0x4080] =	vst v63  }
0x2e: {  	_ = 	snop  }
0x2f: {  	[tilespmem:s16], [sflag:$0x1] =	stream.indirect_vreg.gather [hbm4b:s5+s3], $0x80, v3, vm0, $0xb8;
	[tilespmem:$0x4080] =	vst v63  }
0x30: {  	_ =	swait.ge [sflag:s17], $0x4000  }
0x31: {  	p0 =	sne.s32 s7, $0x1;
	[sflag:s17] =	ssyncset.done $0x0  }
.Ltmp0:
0x32: {  	[sflag:s17] =	ssyncadd.s32 $0xFFFFC000;
	(pc) =	sbr.rel @p0 .LBB2_1-.Ltmp0, $4  }
0x33: {  	[hbm4b:s6+s3] =	stream.linear.scatter [tilespmem:s9], [sflag:$0x2], $0x4000, $0x38;
	[tilespmem:$0x4080] =	vst v63  }
0x34: {  	_ =	swait.ge [sflag:s8], $0x4000  }
0x35: {  	[sflag:s8] =	ssyncset.done $0x0  }
0x36: {  	s7 =	sadd.s32 $0xFFFFFFFF, s7;
	[sflag:s8] =	ssyncadd.s32 $0xFFFFC000  }
0x37: {  	_ =	sfence.sel $0x180000  }
0x38: {  	[bflag:$0x0] =	sbarrier.arrive $0xFFFF  }
0x39: {  	p0 =	sne.s32 s2, $0x0;
	_ =	strace $0x90000047  }
0x3a: {  	s0 =	sadd.s32 @!p0 $0x100000, s0;
	[bflag:$0x2] =	sbarrier.arrive $0xFFFF  }
0x3b: {  	[sflag:s0] =	ssyncadd.tile.s32 @!p0 $0x1;
	_ =	shalt  }
.Lfunc_end2:
_tile_overlayer_lowered:
.L_overlay_start_2:
0x3c: {  	(tag) =	ssettag $0x2  }
0x3d: {  	s0 =	rddreg [dreg:$0x0];
	s2 =	stileid.u32  }
0x3e: {  	s1 =	rddreg [dreg:$0x1];
	p0 =	sne.s32 s2, $0x0  }
0x3f: {  	s3 =	rddreg [dreg:$0x2];
	[bflag:$0x3] =	sbarrier.arrive $0xFFFF;
	s2 =	simm.s32 @!p0 $0x1C02  }
0x40: {  	[timem:s3], [sflag:s2] =	dma.local @!p0 [hbm:s0], s1  }
0x41: {  	s0 =	simm.s32 @!p0 $0x2  }
0x42: {  	_ =	swait.ge @!p0 [sflag:s0], s1  }
0x43: {  	s1 =	ssub.s32 @!p0 $0x0, s1;
	[sflag:s0] =	ssyncset.done @!p0 $0x0  }
0x44: {  	[sflag:s0] =	ssyncadd.s32 @!p0 s1  }
0x45: {  	[bflag:$0x3] =	sbarrier.arrive $0xFFFF  }
0x46: {  	_ =	shalt  }

</sc_bundles>
